<compile_context>
chip_gen: v7x
topology: tpu7x:2x2x1
jax: 0.10.2.dev20260603
libtpu: 0.0.44.dev20260713+nightly
codegen_flags: <defaults>
</compile_context>

<pallas_src>
import functools

import jax
import jax.numpy as jnp
from jax import lax
from jax.experimental import pallas as pl
from jax.experimental.pallas import tpu as pltpu
from jax.experimental.pallas import tpu_sc as plsc

NC = 2
NS = 16
NW = NC * NS
C = 128
L = 16

_SPLAT_DNUMS = lax.GatherDimensionNumbers(
    offset_dims=(), collapsed_slice_dims=(0,), start_index_map=(0,))


def _splat(v, l):
  idx = jnp.full((L, 1), l, jnp.int32)
  return lax.gather(v, idx, _SPLAT_DNUMS, slice_sizes=(1,),
                    mode=lax.GatherScatterMode.PROMISE_IN_BOUNDS)


def _propagate_kernel(n_nodes, n_chunks,
                      src_hbm, dst_hbm, w_hbm, feat_hbm, zeros_hbm, out_hbm,
                      src_v, dst_v, w_v, rows_v, acc_sh, sem):
  cid = lax.axis_index("c")
  sid = lax.axis_index("s")
  wid = cid * NS + sid

  @pl.when(sid == 0)
  def _():
    pltpu.sync_copy(zeros_hbm, acc_sh)

  base = wid * n_chunks
  pltpu.sync_copy(src_hbm.at[pl.ds(base, n_chunks)], src_v)
  pltpu.sync_copy(dst_hbm.at[pl.ds(base, n_chunks)], dst_v)
  pltpu.sync_copy(w_hbm.at[pl.ds(base, n_chunks)], w_v)

  plsc.subcore_barrier()

  def chunk_body(g, carry):
    pltpu.async_copy(feat_hbm.at[src_v.at[g]], rows_v, sem).wait()

    def group_body(k, carry2):
      wv = w_v[g, pl.ds(k * L, L)]
      for l in range(L):
        wb = _splat(wv, l)
        r = k * L + l
        for m in range(8):
          rows_v[r, pl.ds(m * L, L)] = rows_v[r, pl.ds(m * L, L)] * wb
      return carry2

    lax.fori_loop(0, C // L, group_body, 0)

    pltpu.sync_copy(rows_v, acc_sh.at[dst_v.at[g]], add=True)
    return carry

  lax.fori_loop(0, n_chunks, chunk_body, 0)

  plsc.subcore_barrier()

  @pl.when(sid == 0)
  def _():
    pltpu.sync_copy(acc_sh, out_hbm.at[cid])


def _finish_kernel(p0_ref, p1_ref, w_ref, b_ref, o_ref):
  a = p0_ref[...] + p1_ref[...]
  z = jnp.dot(a, w_ref[...], preferred_element_type=jnp.float32) + b_ref[...]
  m = jnp.max(z, axis=1, keepdims=True)
  zs = z - m
  s = jnp.sum(jnp.exp(zs), axis=1, keepdims=True)
  o_ref[...] = zs - jnp.log(s)


def kernel(edge_index, features, edge_weights, W, b):
  n = features.shape[0]
  e = edge_index.shape[1]
  d_in = features.shape[1]
  d_out = W.shape[1]

  per_w = -(-e // NW)
  n_chunks = -(-(-(-per_w // C)) // 8) * 8
  e_pad = NW * n_chunks * C
  pad = e_pad - e
  src = jnp.concatenate([edge_index[0], jnp.zeros((pad,), jnp.int32)])
  dst = jnp.concatenate([edge_index[1], jnp.zeros((pad,), jnp.int32)])
  ew = jnp.concatenate([edge_weights, jnp.zeros((pad,), jnp.float32)])
  src2d = src.reshape(NW * n_chunks, C)
  dst2d = dst.reshape(NW * n_chunks, C)
  ew2d = ew.reshape(NW * n_chunks, C)
  zeros = jnp.zeros((n, d_in), jnp.float32)

  mesh = plsc.VectorSubcoreMesh(core_axis_name="c", subcore_axis_name="s")
  propagate = pl.kernel(
      functools.partial(_propagate_kernel, n, n_chunks),
      out_type=jax.ShapeDtypeStruct((NC, n, d_in), jnp.float32),
      mesh=mesh,
      scratch_types=[
          pltpu.VMEM((n_chunks, C), jnp.int32),
          pltpu.VMEM((n_chunks, C), jnp.int32),
          pltpu.VMEM((n_chunks, C), jnp.float32),
          pltpu.VMEM((C, d_in), jnp.float32),
          pltpu.VMEM_SHARED((n, d_in), jnp.float32),
          pltpu.SemaphoreType.DMA,
      ],
  )
  partials = propagate(src2d, dst2d, ew2d, features, zeros)

  bn = 1000
  out = pl.pallas_call(
      _finish_kernel,
      grid=(n // bn,),
      in_specs=[
          pl.BlockSpec((bn, d_in), lambda i: (i, 0)),
          pl.BlockSpec((bn, d_in), lambda i: (i, 0)),
          pl.BlockSpec((d_in, d_out), lambda i: (0, 0)),
          pl.BlockSpec((1, d_out), lambda i: (0, 0)),
      ],
      out_specs=pl.BlockSpec((bn, d_out), lambda i: (i, 0)),
      out_shape=jax.ShapeDtypeStruct((n, d_out), jnp.float32),
  )(partials[0], partials[1], W, b.reshape(1, d_out))
  return out

# --- scband reference (transcript-rebuilt; emitter-appended) ---
"""Pipeline reference for scband-single-net-7876970021055 (READ-ONLY COPY).

The authoritative reference and input builder live on the scoring server;
editing this copy changes nothing except your own understanding.
"""

import jax, jax.numpy as jnp
import numpy as np

N = 10000
E = 320000
D_IN = 128
D_OUT = 128


def setup_inputs(seed: int = 0) -> dict:
    key = jax.random.key(seed)
    k1, k2, k3, k4 = jax.random.split(key, 4)
    edge_index = jax.random.randint(k1, (2, E), 0, N, dtype=jnp.int32)
    features = jax.random.normal(k2, (N, D_IN), dtype=jnp.float32)
    edge_weights = jax.random.uniform(k3, (E,), dtype=jnp.float32)
    stdv = float(np.sqrt(6.0 / (D_IN + D_OUT)))
    W = jax.random.uniform(k4, (D_IN, D_OUT), minval=-stdv, maxval=stdv, dtype=jnp.float32)
    b = jnp.zeros((D_OUT,), dtype=jnp.float32)
    return {"edge_index": edge_index, "features": features, "edge_weights": edge_weights, "W": W, "b": b}


def reference(edge_index, features, edge_weights, W, b):
    # custom_GCNConv.forward: x = features @ weight; propagate(edge_index, x=x, norm=edge_weights)
    x = jnp.matmul(features, W)
    src = edge_index[0]
    dst = edge_index[1]
    # message: norm.view(-1,1) * x_j  (x_j = x gathered at source nodes)
    msgs = edge_weights[:, None] * jnp.take(x, src, axis=0)
    # aggr='add': scatter-add messages to destination nodes
    aggr = jnp.zeros((features.shape[0], W.shape[1]), dtype=x.dtype).at[dst].add(msgs)
    # update: add bias
    z = aggr + b
    # single_Net.forward: log_softmax over feature dim
    return jax.nn.log_softmax(z, axis=1)

if __name__ == "__main__":
    import jax
    _d = setup_inputs()
    print(jax.jit(kernel)(*tuple(_d.values())))

</pallas_src>

<mosaic_0001>
#map = affine_map<(d0, d1) -> (0, 0)>
#map1 = affine_map<(d0, d1) -> (0, 0, 0)>
module attributes {stable_mosaic.version = 14 : i64} {
  func.func @_propagate_kernel(%arg0: i32, %arg1: i32, %arg2: memref<2560x128xi32, #tpu.memory_space<hbm>>, %arg3: memref<2560x128xi32, #tpu.memory_space<hbm>>, %arg4: memref<2560x128xf32, #tpu.memory_space<hbm>>, %arg5: memref<10000x128xf32, #tpu.memory_space<hbm>>, %arg6: memref<10000x128xf32, #tpu.memory_space<hbm>>, %arg7: memref<2x10000x128xf32, #tpu.memory_space<hbm>>, %arg8: memref<80x128xi32, #tpu.memory_space<vmem>>, %arg9: memref<80x128xi32, #tpu.memory_space<vmem>>, %arg10: memref<80x128xf32, #tpu.memory_space<vmem>>, %arg11: memref<128x128xf32, #tpu.memory_space<vmem>>, %arg12: memref<10000x128xf32, #tpu.memory_space<vmem_shared>>, %arg13: memref<!tpu.dma_semaphore, #tpu.memory_space<semaphore_mem>>) attributes {dimension_semantics = [#tpu.dimension_semantics<core_parallel>, #tpu.dimension_semantics<subcore_parallel>], iteration_bounds = array<i64: 2, 16>, scalar_prefetch = 0 : i64, scratch_operands = 6 : i64, tpu.core_type = #tpu.core_type<sc_vector_subcore>, window_params = [{transform_indices = #map}, {transform_indices = #map}, {transform_indices = #map}, {transform_indices = #map}, {transform_indices = #map}, {transform_indices = #map1}]} {
    %mul3A = arith.constant 16 : i32
    %mul3A_0 = arith.muli %arg0, %mul3A : i32
    %add3A = arith.addi %mul3A_0, %arg1 : i32
    %eq3A = arith.constant 0 : i32
    %eq3A_1 = arith.cmpi eq, %arg1, %eq3A : i32
    %convert_element_type3A = arith.extui %eq3A_1 : i1 to i32
    %cond3A = arith.constant 0 : i32
    %cond3A_2 = arith.cmpi ne, %convert_element_type3A, %cond3A : i32
    scf.if %cond3A_2 {
      "tpu.region"() ({
        %run_scoped3A = tpu.sem_alloc : memref<!tpu.dma_semaphore, #tpu.memory_space<semaphore_mem>>
        tpu.enqueue_dma source(%arg6 : memref<10000x128xf32, #tpu.memory_space<hbm>>) target(%arg12 : memref<10000x128xf32, #tpu.memory_space<vmem_shared>>) target_semaphore(%run_scoped3A : memref<!tpu.dma_semaphore, #tpu.memory_space<semaphore_mem>>)
        tpu.wait_dma2 semaphore(%run_scoped3A : memref<!tpu.dma_semaphore, #tpu.memory_space<semaphore_mem>>) src(%arg6 : memref<10000x128xf32, #tpu.memory_space<hbm>>) dst(%arg12 : memref<10000x128xf32, #tpu.memory_space<vmem_shared>>)
        tpu.yield
      }) : () -> ()
    } else {
    }
    %mul3A_3 = arith.constant 80 : i32
    %mul3A_4 = arith.muli %add3A, %mul3A_3 : i32
    "tpu.region"() ({
      %run_scoped3A = tpu.sem_alloc : memref<!tpu.dma_semaphore, #tpu.memory_space<semaphore_mem>>
      %dma_start3A = arith.constant 0 : i32
      %dma_start3A_16 = tpu.memref_slice %arg2[%mul3A_4, %dma_start3A] : memref<2560x128xi32, #tpu.memory_space<hbm>> -> memref<80x128xi32, #tpu.memory_space<hbm>>
      %dma_start3A_17 = arith.constant 0 : i32
      %dma_start3A_18 = tpu.memref_slice %arg2[%mul3A_4, %dma_start3A_17] : memref<2560x128xi32, #tpu.memory_space<hbm>> -> memref<80x128xi32, #tpu.memory_space<hbm>>
      tpu.enqueue_dma source(%dma_start3A_18 : memref<80x128xi32, #tpu.memory_space<hbm>>) target(%arg8 : memref<80x128xi32, #tpu.memory_space<vmem>>) target_semaphore(%run_scoped3A : memref<!tpu.dma_semaphore, #tpu.memory_space<semaphore_mem>>)
      %dma_wait3A = arith.constant 0 : i32
      %dma_wait3A_19 = tpu.memref_slice %arg2[%mul3A_4, %dma_wait3A] : memref<2560x128xi32, #tpu.memory_space<hbm>> -> memref<80x128xi32, #tpu.memory_space<hbm>>
      %dma_wait3A_20 = arith.constant 0 : i32
      %dma_wait3A_21 = tpu.memref_slice %arg2[%mul3A_4, %dma_wait3A_20] : memref<2560x128xi32, #tpu.memory_space<hbm>> -> memref<80x128xi32, #tpu.memory_space<hbm>>
      tpu.wait_dma2 semaphore(%run_scoped3A : memref<!tpu.dma_semaphore, #tpu.memory_space<semaphore_mem>>) src(%dma_wait3A_21 : memref<80x128xi32, #tpu.memory_space<hbm>>) dst(%arg8 : memref<80x128xi32, #tpu.memory_space<vmem>>)
      tpu.yield
    }) : () -> ()
    "tpu.region"() ({
      %run_scoped3A = tpu.sem_alloc : memref<!tpu.dma_semaphore, #tpu.memory_space<semaphore_mem>>
      %dma_start3A = arith.constant 0 : i32
      %dma_start3A_16 = tpu.memref_slice %arg3[%mul3A_4, %dma_start3A] : memref<2560x128xi32, #tpu.memory_space<hbm>> -> memref<80x128xi32, #tpu.memory_space<hbm>>
      %dma_start3A_17 = arith.constant 0 : i32
      %dma_start3A_18 = tpu.memref_slice %arg3[%mul3A_4, %dma_start3A_17] : memref<2560x128xi32, #tpu.memory_space<hbm>> -> memref<80x128xi32, #tpu.memory_space<hbm>>
      tpu.enqueue_dma source(%dma_start3A_18 : memref<80x128xi32, #tpu.memory_space<hbm>>) target(%arg9 : memref<80x128xi32, #tpu.memory_space<vmem>>) target_semaphore(%run_scoped3A : memref<!tpu.dma_semaphore, #tpu.memory_space<semaphore_mem>>)
      %dma_wait3A = arith.constant 0 : i32
      %dma_wait3A_19 = tpu.memref_slice %arg3[%mul3A_4, %dma_wait3A] : memref<2560x128xi32, #tpu.memory_space<hbm>> -> memref<80x128xi32, #tpu.memory_space<hbm>>
      %dma_wait3A_20 = arith.constant 0 : i32
      %dma_wait3A_21 = tpu.memref_slice %arg3[%mul3A_4, %dma_wait3A_20] : memref<2560x128xi32, #tpu.memory_space<hbm>> -> memref<80x128xi32, #tpu.memory_space<hbm>>
      tpu.wait_dma2 semaphore(%run_scoped3A : memref<!tpu.dma_semaphore, #tpu.memory_space<semaphore_mem>>) src(%dma_wait3A_21 : memref<80x128xi32, #tpu.memory_space<hbm>>) dst(%arg9 : memref<80x128xi32, #tpu.memory_space<vmem>>)
      tpu.yield
    }) : () -> ()
    "tpu.region"() ({
      %run_scoped3A = tpu.sem_alloc : memref<!tpu.dma_semaphore, #tpu.memory_space<semaphore_mem>>
      %dma_start3A = arith.constant 0 : i32
      %dma_start3A_16 = tpu.memref_slice %arg4[%mul3A_4, %dma_start3A] : memref<2560x128xf32, #tpu.memory_space<hbm>> -> memref<80x128xf32, #tpu.memory_space<hbm>>
      %dma_start3A_17 = arith.constant 0 : i32
      %dma_start3A_18 = tpu.memref_slice %arg4[%mul3A_4, %dma_start3A_17] : memref<2560x128xf32, #tpu.memory_space<hbm>> -> memref<80x128xf32, #tpu.memory_space<hbm>>
      tpu.enqueue_dma source(%dma_start3A_18 : memref<80x128xf32, #tpu.memory_space<hbm>>) target(%arg10 : memref<80x128xf32, #tpu.memory_space<vmem>>) target_semaphore(%run_scoped3A : memref<!tpu.dma_semaphore, #tpu.memory_space<semaphore_mem>>)
      %dma_wait3A = arith.constant 0 : i32
      %dma_wait3A_19 = tpu.memref_slice %arg4[%mul3A_4, %dma_wait3A] : memref<2560x128xf32, #tpu.memory_space<hbm>> -> memref<80x128xf32, #tpu.memory_space<hbm>>
      %dma_wait3A_20 = arith.constant 0 : i32
      %dma_wait3A_21 = tpu.memref_slice %arg4[%mul3A_4, %dma_wait3A_20] : memref<2560x128xf32, #tpu.memory_space<hbm>> -> memref<80x128xf32, #tpu.memory_space<hbm>>
      tpu.wait_dma2 semaphore(%run_scoped3A : memref<!tpu.dma_semaphore, #tpu.memory_space<semaphore_mem>>) src(%dma_wait3A_21 : memref<80x128xf32, #tpu.memory_space<hbm>>) dst(%arg10 : memref<80x128xf32, #tpu.memory_space<vmem>>)
      tpu.yield
    }) : () -> ()
    %barrier3A = arith.constant 0 : index
    tpu.barrier barrier_id(%barrier3A)
    %scan3A = arith.constant 0 : i32
    %scan3A_5 = arith.constant 0 : i32
    %scan3A_6 = arith.constant 80 : i32
    %scan3A_7 = arith.addi %scan3A_5, %scan3A_6 : i32
    %scan3A_8 = arith.constant 1 : i32
    scf.for %scan3A_16 = %scan3A_5 to %scan3A_7 step %scan3A_8  : i32 {
      %dma_start3A = arith.constant 0 : i32
      %dma_start3A_17 = tpu.memref_slice %arg8[%scan3A_16, %dma_start3A] : memref<80x128xi32, #tpu.memory_space<vmem>> -> memref<1x128xi32, #tpu.memory_space<vmem>>
      %dma_start3A_18 = tpu.memref_squeeze %dma_start3A_17 : memref<1x128xi32, #tpu.memory_space<vmem>> -> memref<128xi32, #tpu.memory_space<vmem>>
      %dma_start3A_19 = arith.constant 0 : i32
      %dma_start3A_20 = arith.constant 0 : i32
      %dma_start3A_21 = tpu.memref_slice %arg5[%dma_start3A_19, %dma_start3A_20] : memref<10000x128xf32, #tpu.memory_space<hbm>> -> memref<10000x128xf32, #tpu.memory_space<hbm>>
      tpu.enqueue_indirect_dma source(%dma_start3A_21 : memref<10000x128xf32, #tpu.memory_space<hbm>>) target(%arg11 : memref<128x128xf32, #tpu.memory_space<vmem>>) offsets(%dma_start3A_18 : memref<128xi32, #tpu.memory_space<vmem>>) semaphore(%arg13 : memref<!tpu.dma_semaphore, #tpu.memory_space<semaphore_mem>>)
      %dma_wait3A = arith.constant 0 : i32
      %dma_wait3A_22 = tpu.memref_slice %arg8[%scan3A_16, %dma_wait3A] : memref<80x128xi32, #tpu.memory_space<vmem>> -> memref<1x128xi32, #tpu.memory_space<vmem>>
      %dma_wait3A_23 = tpu.memref_squeeze %dma_wait3A_22 : memref<1x128xi32, #tpu.memory_space<vmem>> -> memref<128xi32, #tpu.memory_space<vmem>>
      %dma_wait3A_24 = arith.constant 0 : i32
      %dma_wait3A_25 = arith.constant 0 : i32
      %dma_wait3A_26 = tpu.memref_slice %arg5[%dma_wait3A_24, %dma_wait3A_25] : memref<10000x128xf32, #tpu.memory_space<hbm>> -> memref<10000x128xf32, #tpu.memory_space<hbm>>
      tpu.wait_indirect_dma semaphore(%arg13 : memref<!tpu.dma_semaphore, #tpu.memory_space<semaphore_mem>>) src(%dma_wait3A_26 : memref<10000x128xf32, #tpu.memory_space<hbm>>) dst(%arg11 : memref<128x128xf32, #tpu.memory_space<vmem>>)
      %scan3A_27 = arith.constant 0 : i32
      %scan3A_28 = arith.constant 0 : i32
      %scan3A_29 = arith.constant 8 : i32
      %scan3A_30 = arith.addi %scan3A_28, %scan3A_29 : i32
      %scan3A_31 = arith.constant 1 : i32
      scf.for %scan3A_33 = %scan3A_28 to %scan3A_30 step %scan3A_31  : i32 {
        %mul3A_34 = arith.constant 16 : i32
        %mul3A_35 = arith.muli %scan3A_33, %mul3A_34 : i32
        %get3A = arith.index_cast %scan3A_16 : i32 to index
        %get3A_36 = arith.index_cast %mul3A_35 : i32 to index
        %get3A_37 = tpu.vector_load %arg10[%get3A, %get3A_36] {strides = array<i32>} : memref<80x128xf32, #tpu.memory_space<vmem>>, vector<1x16xf32>,
        %get3A_38 = vector.shape_cast %get3A_37 : vector<1x16xf32> to vector<16xf32>
        %broadcast_in_dim3A = arith.constant 0 : i32
        %broadcast_in_dim3A_39 = vector.broadcast %broadcast_in_dim3A : i32 to vector<16x1xi32>
        %gather3A = vector.shape_cast %broadcast_in_dim3A_39 : vector<16x1xi32> to vector<16xi32>
        %gather3A_40 = tpu.dynamic_gather %get3A_38[%gather3A] in [0] : vector<16xf32>, vector<16xi32> -> vector<16xf32>
        %mul3A_41 = arith.constant 16 : i32
        %mul3A_42 = arith.muli %scan3A_33, %mul3A_41 : i32
        %add3A_43 = arith.constant 0 : i32
        %add3A_44 = arith.addi %mul3A_42, %add3A_43 : i32
        %get3A_45 = arith.index_cast %add3A_44 : i32 to index
        %get3A_46 = arith.constant 0 : index
        %get3A_47 = tpu.vector_load %arg11[%get3A_45, %get3A_46] {strides = array<i32>} : memref<128x128xf32, #tpu.memory_space<vmem>>, vector<1x16xf32>,
        %get3A_48 = vector.shape_cast %get3A_47 : vector<1x16xf32> to vector<16xf32>
        %mul3A_49 = arith.mulf %get3A_48, %gather3A_40 : vector<16xf32>
        %swap3A = arith.index_cast %add3A_44 : i32 to index
        %swap3A_50 = arith.constant 0 : index
        %swap3A_51 = tpu.vector_load %arg11[%swap3A, %swap3A_50] {strides = array<i32>} : memref<128x128xf32, #tpu.memory_space<vmem>>, vector<1x16xf32>,
        %swap3A_52 = vector.shape_cast %swap3A_51 : vector<1x16xf32> to vector<16xf32>
        %swap3A_53 = vector.shape_cast %mul3A_49 : vector<16xf32> to vector<1x16xf32>
        tpu.vector_store %arg11[%swap3A, %swap3A_50], %swap3A_53 {strides = array<i32>} : memref<128x128xf32, #tpu.memory_space<vmem>>, vector<1x16xf32>,
        %get3A_54 = arith.index_cast %add3A_44 : i32 to index
        %get3A_55 = arith.constant 16 : index
        %get3A_56 = tpu.vector_load %arg11[%get3A_54, %get3A_55] {strides = array<i32>} : memref<128x128xf32, #tpu.memory_space<vmem>>, vector<1x16xf32>,
        %get3A_57 = vector.shape_cast %get3A_56 : vector<1x16xf32> to vector<16xf32>
        %mul3A_58 = arith.mulf %get3A_57, %gather3A_40 : vector<16xf32>
        %swap3A_59 = arith.index_cast %add3A_44 : i32 to index
        %swap3A_60 = arith.constant 16 : index
        %swap3A_61 = tpu.vector_load %arg11[%swap3A_59, %swap3A_60] {strides = array<i32>} : memref<128x128xf32, #tpu.memory_space<vmem>>, vector<1x16xf32>,
        %swap3A_62 = vector.shape_cast %swap3A_61 : vector<1x16xf32> to vector<16xf32>
        %swap3A_63 = vector.shape_cast %mul3A_58 : vector<16xf32> to vector<1x16xf32>
        tpu.vector_store %arg11[%swap3A_59, %swap3A_60], %swap3A_63 {strides = array<i32>} : memref<128x128xf32, #tpu.memory_space<vmem>>, vector<1x16xf32>,
        %get3A_64 = arith.index_cast %add3A_44 : i32 to index
        %get3A_65 = arith.constant 32 : index
        %get3A_66 = tpu.vector_load %arg11[%get3A_64, %get3A_65] {strides = array<i32>} : memref<128x128xf32, #tpu.memory_space<vmem>>, vector<1x16xf32>,
        %get3A_67 = vector.shape_cast %get3A_66 : vector<1x16xf32> to vector<16xf32>
        %mul3A_68 = arith.mulf %get3A_67, %gather3A_40 : vector<16xf32>
        %swap3A_69 = arith.index_cast %add3A_44 : i32 to index
        %swap3A_70 = arith.constant 32 : index
        %swap3A_71 = tpu.vector_load %arg11[%swap3A_69, %swap3A_70] {strides = array<i32>} : memref<128x128xf32, #tpu.memory_space<vmem>>, vector<1x16xf32>,
        %swap3A_72 = vector.shape_cast %swap3A_71 : vector<1x16xf32> to vector<16xf32>
        %swap3A_73 = vector.shape_cast %mul3A_68 : vector<16xf32> to vector<1x16xf32>
        tpu.vector_store %arg11[%swap3A_69, %swap3A_70], %swap3A_73 {strides = array<i32>} : memref<128x128xf32, #tpu.memory_space<vmem>>, vector<1x16xf32>,
        %get3A_74 = arith.index_cast %add3A_44 : i32 to index
        %get3A_75 = arith.constant 48 : index
        %get3A_76 = tpu.vector_load %arg11[%get3A_74, %get3A_75] {strides = array<i32>} : memref<128x128xf32, #tpu.memory_space<vmem>>, vector<1x16xf32>,
        %get3A_77 = vector.shape_cast %get3A_76 : vector<1x16xf32> to vector<16xf32>
        %mul3A_78 = arith.mulf %get3A_77, %gather3A_40 : vector<16xf32>
        %swap3A_79 = arith.index_cast %add3A_44 : i32 to index
        %swap3A_80 = arith.constant 48 : index
        %swap3A_81 = tpu.vector_load %arg11[%swap3A_79, %swap3A_80] {strides = array<i32>} : memref<128x128xf32, #tpu.memory_space<vmem>>, vector<1x16xf32>,
        %swap3A_82 = vector.shape_cast %swap3A_81 : vector<1x16xf32> to vector<16xf32>
        %swap3A_83 = vector.shape_cast %mul3A_78 : vector<16xf32> to vector<1x16xf32>
        tpu.vector_store %arg11[%swap3A_79, %swap3A_80], %swap3A_83 {strides = array<i32>} : memref<128x128xf32, #tpu.memory_space<vmem>>, vector<1x16xf32>,
        %get3A_84 = arith.index_cast %add3A_44 : i32 to index
        %get3A_85 = arith.constant 64 : index
        %get3A_86 = tpu.vector_load %arg11[%get3A_84, %get3A_85] {strides = array<i32>} : memref<128x128xf32, #tpu.memory_space<vmem>>, vector<1x16xf32>,
        %get3A_87 = vector.shape_cast %get3A_86 : vector<1x16xf32> to vector<16xf32>
        %mul3A_88 = arith.mulf %get3A_87, %gather3A_40 : vector<16xf32>
        %swap3A_89 = arith.index_cast %add3A_44 : i32 to index
        %swap3A_90 = arith.constant 64 : index
        %swap3A_91 = tpu.vector_load %arg11[%swap3A_89, %swap3A_90] {strides = array<i32>} : memref<128x128xf32, #tpu.memory_space<vmem>>, vector<1x16xf32>,
        %swap3A_92 = vector.shape_cast %swap3A_91 : vector<1x16xf32> to vector<16xf32>
        %swap3A_93 = vector.shape_cast %mul3A_88 : vector<16xf32> to vector<1x16xf32>
        tpu.vector_store %arg11[%swap3A_89, %swap3A_90], %swap3A_93 {strides = array<i32>} : memref<128x128xf32, #tpu.memory_space<vmem>>, vector<1x16xf32>,
        %get3A_94 = arith.index_cast %add3A_44 : i32 to index
        %get3A_95 = arith.constant 80 : index
        %get3A_96 = tpu.vector_load %arg11[%get3A_94, %get3A_95] {strides = array<i32>} : memref<128x128xf32, #tpu.memory_space<vmem>>, vector<1x16xf32>,
        %get3A_97 = vector.shape_cast %get3A_96 : vector<1x16xf32> to vector<16xf32>
        %mul3A_98 = arith.mulf %get3A_97, %gather3A_40 : vector<16xf32>
        %swap3A_99 = arith.index_cast %add3A_44 : i32 to index
        %swap3A_100 = arith.constant 80 : index
        %swap3A_101 = tpu.vector_load %arg11[%swap3A_99, %swap3A_100] {strides = array<i32>} : memref<128x128xf32, #tpu.memory_space<vmem>>, vector<1x16xf32>,
        %swap3A_102 = vector.shape_cast %swap3A_101 : vector<1x16xf32> to vector<16xf32>
        %swap3A_103 = vector.shape_cast %mul3A_98 : vector<16xf32> to vector<1x16xf32>
        tpu.vector_store %arg11[%swap3A_99, %swap3A_100], %swap3A_103 {strides = array<i32>} : memref<128x128xf32, #tpu.memory_space<vmem>>, vector<1x16xf32>,
        %get3A_104 = arith.index_cast %add3A_44 : i32 to index
        %get3A_105 = arith.constant 96 : index
        %get3A_106 = tpu.vector_load %arg11[%get3A_104, %get3A_105] {strides = array<i32>} : memref<128x128xf32, #tpu.memory_space<vmem>>, vector<1x16xf32>,
        %get3A_107 = vector.shape_cast %get3A_106 : vector<1x16xf32> to vector<16xf32>
        %mul3A_108 = arith.mulf %get3A_107, %gather3A_40 : vector<16xf32>
        %swap3A_109 = arith.index_cast %add3A_44 : i32 to index
        %swap3A_110 = arith.constant 96 : index
        %swap3A_111 = tpu.vector_load %arg11[%swap3A_109, %swap3A_110] {strides = array<i32>} : memref<128x128xf32, #tpu.memory_space<vmem>>, vector<1x16xf32>,
        %swap3A_112 = vector.shape_cast %swap3A_111 : vector<1x16xf32> to vector<16xf32>
        %swap3A_113 = vector.shape_cast %mul3A_108 : vector<16xf32> to vector<1x16xf32>
        tpu.vector_store %arg11[%swap3A_109, %swap3A_110], %swap3A_113 {strides = array<i32>} : memref<128x128xf32, #tpu.memory_space<vmem>>, vector<1x16xf32>,
        %get3A_114 = arith.index_cast %add3A_44 : i32 to index
        %get3A_115 = arith.constant 112 : index
        %get3A_116 = tpu.vector_load %arg11[%get3A_114, %get3A_115] {strides = array<i32>} : memref<128x128xf32, #tpu.memory_space<vmem>>, vector<1x16xf32>,
        %get3A_117 = vector.shape_cast %get3A_116 : vector<1x16xf32> to vector<16xf32>
        %mul3A_118 = arith.mulf %get3A_117, %gather3A_40 : vector<16xf32>
        %swap3A_119 = arith.index_cast %add3A_44 : i32 to index
        %swap3A_120 = arith.constant 112 : index
        %swap3A_121 = tpu.vector_load %arg11[%swap3A_119, %swap3A_120] {strides = array<i32>} : memref<128x128xf32, #tpu.memory_space<vmem>>, vector<1x16xf32>,
        %swap3A_122 = vector.shape_cast %swap3A_121 : vector<1x16xf32> to vector<16xf32>
        %swap3A_123 = vector.shape_cast %mul3A_118 : vector<16xf32> to vector<1x16xf32>
        tpu.vector_store %arg11[%swap3A_119, %swap3A_120], %swap3A_123 {strides = array<i32>} : memref<128x128xf32, #tpu.memory_space<vmem>>, vector<1x16xf32>,
        %broadcast_in_dim3A_124 = arith.constant 1 : i32
        %broadcast_in_dim3A_125 = vector.broadcast %broadcast_in_dim3A_124 : i32 to vector<16x1xi32>
        %gather3A_126 = vector.shape_cast %broadcast_in_dim3A_125 : vector<16x1xi32> to vector<16xi32>
        %gather3A_127 = tpu.dynamic_gather %get3A_38[%gather3A_126] in [0] : vector<16xf32>, vector<16xi32> -> vector<16xf32>
        %mul3A_128 = arith.constant 16 : i32
        %mul3A_129 = arith.muli %scan3A_33, %mul3A_128 : i32
        %add3A_130 = arith.constant 1 : i32
        %add3A_131 = arith.addi %mul3A_129, %add3A_130 : i32
        %get3A_132 = arith.index_cast %add3A_131 : i32 to index
        %get3A_133 = arith.constant 0 : index
        %get3A_134 = tpu.vector_load %arg11[%get3A_132, %get3A_133] {strides = array<i32>} : memref<128x128xf32, #tpu.memory_space<vmem>>, vector<1x16xf32>,
        %get3A_135 = vector.shape_cast %get3A_134 : vector<1x16xf32> to vector<16xf32>
        %mul3A_136 = arith.mulf %get3A_135, %gather3A_127 : vector<16xf32>
        %swap3A_137 = arith.index_cast %add3A_131 : i32 to index
        %swap3A_138 = arith.constant 0 : index
        %swap3A_139 = tpu.vector_load %arg11[%swap3A_137, %swap3A_138] {strides = array<i32>} : memref<128x128xf32, #tpu.memory_space<vmem>>, vector<1x16xf32>,
        %swap3A_140 = vector.shape_cast %swap3A_139 : vector<1x16xf32> to vector<16xf32>
        %swap3A_141 = vector.shape_cast %mul3A_136 : vector<16xf32> to vector<1x16xf32>
        tpu.vector_store %arg11[%swap3A_137, %swap3A_138], %swap3A_141 {strides = array<i32>} : memref<128x128xf32, #tpu.memory_space<vmem>>, vector<1x16xf32>,
        %get3A_142 = arith.index_cast %add3A_131 : i32 to index
        %get3A_143 = arith.constant 16 : index
        %get3A_144 = tpu.vector_load %arg11[%get3A_142, %get3A_143] {strides = array<i32>} : memref<128x128xf32, #tpu.memory_space<vmem>>, vector<1x16xf32>,
        %get3A_145 = vector.shape_cast %get3A_144 : vector<1x16xf32> to vector<16xf32>
        %mul3A_146 = arith.mulf %get3A_145, %gather3A_127 : vector<16xf32>
        %swap3A_147 = arith.index_cast %add3A_131 : i32 to index
        %swap3A_148 = arith.constant 16 : index
        %swap3A_149 = tpu.vector_load %arg11[%swap3A_147, %swap3A_148] {strides = array<i32>} : memref<128x128xf32, #tpu.memory_space<vmem>>, vector<1x16xf32>,
        %swap3A_150 = vector.shape_cast %swap3A_149 : vector<1x16xf32> to vector<16xf32>
        %swap3A_151 = vector.shape_cast %mul3A_146 : vector<16xf32> to vector<1x16xf32>
        tpu.vector_store %arg11[%swap3A_147, %swap3A_148], %swap3A_151 {strides = array<i32>} : memref<128x128xf32, #tpu.memory_space<vmem>>, vector<1x16xf32>,
        %get3A_152 = arith.index_cast %add3A_131 : i32 to index
        %get3A_153 = arith.constant 32 : index
        %get3A_154 = tpu.vector_load %arg11[%get3A_152, %get3A_153] {strides = array<i32>} : memref<128x128xf32, #tpu.memory_space<vmem>>, vector<1x16xf32>,
        %get3A_155 = vector.shape_cast %get3A_154 : vector<1x16xf32> to vector<16xf32>
        %mul3A_156 = arith.mulf %get3A_155, %gather3A_127 : vector<16xf32>
        %swap3A_157 = arith.index_cast %add3A_131 : i32 to index
        %swap3A_158 = arith.constant 32 : index
        %swap3A_159 = tpu.vector_load %arg11[%swap3A_157, %swap3A_158] {strides = array<i32>} : memref<128x128xf32, #tpu.memory_space<vmem>>, vector<1x16xf32>,
        %swap3A_160 = vector.shape_cast %swap3A_159 : vector<1x16xf32> to vector<16xf32>
        %swap3A_161 = vector.shape_cast %mul3A_156 : vector<16xf32> to vector<1x16xf32>
        tpu.vector_store %arg11[%swap3A_157, %swap3A_158], %swap3A_161 {strides = array<i32>} : memref<128x128xf32, #tpu.memory_space<vmem>>, vector<1x16xf32>,
        %get3A_162 = arith.index_cast %add3A_131 : i32 to index
        %get3A_163 = arith.constant 48 : index
        %get3A_164 = tpu.vector_load %arg11[%get3A_162, %get3A_163] {strides = array<i32>} : memref<128x128xf32, #tpu.memory_space<vmem>>, vector<1x16xf32>,
        %get3A_165 = vector.shape_cast %get3A_164 : vector<1x16xf32> to vector<16xf32>
        %mul3A_166 = arith.mulf %get3A_165, %gather3A_127 : vector<16xf32>
        %swap3A_167 = arith.index_cast %add3A_131 : i32 to index
        %swap3A_168 = arith.constant 48 : index
        %swap3A_169 = tpu.vector_load %arg11[%swap3A_167, %swap3A_168] {strides = array<i32>} : memref<128x128xf32, #tpu.memory_space<vmem>>, vector<1x16xf32>,
        %swap3A_170 = vector.shape_cast %swap3A_169 : vector<1x16xf32> to vector<16xf32>
        %swap3A_171 = vector.shape_cast %mul3A_166 : vector<16xf32> to vector<1x16xf32>
        tpu.vector_store %arg11[%swap3A_167, %swap3A_168], %swap3A_171 {strides = array<i32>} : memref<128x128xf32, #tpu.memory_space<vmem>>, vector<1x16xf32>,
        %get3A_172 = arith.index_cast %add3A_131 : i32 to index
        %get3A_173 = arith.constant 64 : index
        %get3A_174 = tpu.vector_load %arg11[%get3A_172, %get3A_173] {strides = array<i32>} : memref<128x128xf32, #tpu.memory_space<vmem>>, vector<1x16xf32>,
        %get3A_175 = vector.shape_cast %get3A_174 : vector<1x16xf32> to vector<16xf32>
        %mul3A_176 = arith.mulf %get3A_175, %gather3A_127 : vector<16xf32>
        %swap3A_177 = arith.index_cast %add3A_131 : i32 to index
        %swap3A_178 = arith.constant 64 : index
        %swap3A_179 = tpu.vector_load %arg11[%swap3A_177, %swap3A_178] {strides = array<i32>} : memref<128x128xf32, #tpu.memory_space<vmem>>, vector<1x16xf32>,
        %swap3A_180 = vector.shape_cast %swap3A_179 : vector<1x16xf32> to vector<16xf32>
        %swap3A_181 = vector.shape_cast %mul3A_176 : vector<16xf32> to vector<1x16xf32>
        tpu.vector_store %arg11[%swap3A_177, %swap3A_178], %swap3A_181 {strides = array<i32>} : memref<128x128xf32, #tpu.memory_space<vmem>>, vector<1x16xf32>,
        %get3A_182 = arith.index_cast %add3A_131 : i32 to index
        %get3A_183 = arith.constant 80 : index
        %get3A_184 = tpu.vector_load %arg11[%get3A_182, %get3A_183] {strides = array<i32>} : memref<128x128xf32, #tpu.memory_space<vmem>>, vector<1x16xf32>,
        %get3A_185 = vector.shape_cast %get3A_184 : vector<1x16xf32> to vector<16xf32>
        %mul3A_186 = arith.mulf %get3A_185, %gather3A_127 : vector<16xf32>
        %swap3A_187 = arith.index_cast %add3A_131 : i32 to index
        %swap3A_188 = arith.constant 80 : index
        %swap3A_189 = tpu.vector_load %arg11[%swap3A_187, %swap3A_188] {strides = array<i32>} : memref<128x128xf32, #tpu.memory_space<vmem>>, vector<1x16xf32>,
        %swap3A_190 = vector.shape_cast %swap3A_189 : vector<1x16xf32> to vector<16xf32>
        %swap3A_191 = vector.shape_cast %mul3A_186 : vector<16xf32> to vector<1x16xf32>
        tpu.vector_store %arg11[%swap3A_187, %swap3A_188], %swap3A_191 {strides = array<i32>} : memref<128x128xf32, #tpu.memory_space<vmem>>, vector<1x16xf32>,
        %get3A_192 = arith.index_cast %add3A_131 : i32 to index
        %get3A_193 = arith.constant 96 : index
        %get3A_194 = tpu.vector_load %arg11[%get3A_192, %get3A_193] {strides = array<i32>} : memref<128x128xf32, #tpu.memory_space<vmem>>, vector<1x16xf32>,
        %get3A_195 = vector.shape_cast %get3A_194 : vector<1x16xf32> to vector<16xf32>
        %mul3A_196 = arith.mulf %get3A_195, %gather3A_127 : vector<16xf32>
        %swap3A_197 = arith.index_cast %add3A_131 : i32 to index
        %swap3A_198 = arith.constant 96 : index
        %swap3A_199 = tpu.vector_load %arg11[%swap3A_197, %swap3A_198] {strides = array<i32>} : memref<128x128xf32, #tpu.memory_space<vmem>>, vector<1x16xf32>,
        %swap3A_200 = vector.shape_cast %swap3A_199 : vector<1x16xf32> to vector<16xf32>
        %swap3A_201 = vector.shape_cast %mul3A_196 : vector<16xf32> to vector<1x16xf32>
        tpu.vector_store %arg11[%swap3A_197, %swap3A_198], %swap3A_201 {strides = array<i32>} : memref<128x128xf32, #tpu.memory_space<vmem>>, vector<1x16xf32>,
        %get3A_202 = arith.index_cast %add3A_131 : i32 to index
        %get3A_203 = arith.constant 112 : index
        %get3A_204 = tpu.vector_load %arg11[%get3A_202, %get3A_203] {strides = array<i32>} : memref<128x128xf32, #tpu.memory_space<vmem>>, vector<1x16xf32>,
        %get3A_205 = vector.shape_cast %get3A_204 : vector<1x16xf32> to vector<16xf32>
        %mul3A_206 = arith.mulf %get3A_205, %gather3A_127 : vector<16xf32>
        %swap3A_207 = arith.index_cast %add3A_131 : i32 to index
        %swap3A_208 = arith.constant 112 : index
        %swap3A_209 = tpu.vector_load %arg11[%swap3A_207, %swap3A_208] {strides = array<i32>} : memref<128x128xf32, #tpu.memory_space<vmem>>, vector<1x16xf32>,
        %swap3A_210 = vector.shape_cast %swap3A_209 : vector<1x16xf32> to vector<16xf32>
        %swap3A_211 = vector.shape_cast %mul3A_206 : vector<16xf32> to vector<1x16xf32>
        tpu.vector_store %arg11[%swap3A_207, %swap3A_208], %swap3A_211 {strides = array<i32>} : memref<128x128xf32, #tpu.memory_space<vmem>>, vector<1x16xf32>,
        %broadcast_in_dim3A_212 = arith.constant 2 : i32
        %broadcast_in_dim3A_213 = vector.broadcast %broadcast_in_dim3A_212 : i32 to vector<16x1xi32>
        %gather3A_214 = vector.shape_cast %broadcast_in_dim3A_213 : vector<16x1xi32> to vector<16xi32>
        %gather3A_215 = tpu.dynamic_gather %get3A_38[%gather3A_214] in [0] : vector<16xf32>, vector<16xi32> -> vector<16xf32>
        %mul3A_216 = arith.constant 16 : i32
        %mul3A_217 = arith.muli %scan3A_33, %mul3A_216 : i32
        %add3A_218 = arith.constant 2 : i32
        %add3A_219 = arith.addi %mul3A_217, %add3A_218 : i32
        %get3A_220 = arith.index_cast %add3A_219 : i32 to index
        %get3A_221 = arith.constant 0 : index
        %get3A_222 = tpu.vector_load %arg11[%get3A_220, %get3A_221] {strides = array<i32>} : memref<128x128xf32, #tpu.memory_space<vmem>>, vector<1x16xf32>,
        %get3A_223 = vector.shape_cast %get3A_222 : vector<1x16xf32> to vector<16xf32>
        %mul3A_224 = arith.mulf %get3A_223, %gather3A_215 : vector<16xf32>
        %swap3A_225 = arith.index_cast %add3A_219 : i32 to index
        %swap3A_226 = arith.constant 0 : index
        %swap3A_227 = tpu.vector_load %arg11[%swap3A_225, %swap3A_226] {strides = array<i32>} : memref<128x128xf32, #tpu.memory_space<vmem>>, vector<1x16xf32>,
        %swap3A_228 = vector.shape_cast %swap3A_227 : vector<1x16xf32> to vector<16xf32>
        %swap3A_229 = vector.shape_cast %mul3A_224 : vector<16xf32> to vector<1x16xf32>
        tpu.vector_store %arg11[%swap3A_225, %swap3A_226], %swap3A_229 {strides = array<i32>} : memref<128x128xf32, #tpu.memory_space<vmem>>, vector<1x16xf32>,
        %get3A_230 = arith.index_cast %add3A_219 : i32 to index
        %get3A_231 = arith.constant 16 : index
        %get3A_232 = tpu.vector_load %arg11[%get3A_230, %get3A_231] {strides = array<i32>} : memref<128x128xf32, #tpu.memory_space<vmem>>, vector<1x16xf32>,
        %get3A_233 = vector.shape_cast %get3A_232 : vector<1x16xf32> to vector<16xf32>
        %mul3A_234 = arith.mulf %get3A_233, %gather3A_215 : vector<16xf32>
        %swap3A_235 = arith.index_cast %add3A_219 : i32 to index
        %swap3A_236 = arith.constant 16 : index
        %swap3A_237 = tpu.vector_load %arg11[%swap3A_235, %swap3A_236] {strides = array<i32>} : memref<128x128xf32, #tpu.memory_space<vmem>>, vector<1x16xf32>,
        %swap3A_238 = vector.shape_cast %swap3A_237 : vector<1x16xf32> to vector<16xf32>
        %swap3A_239 = vector.shape_cast %mul3A_234 : vector<16xf32> to vector<1x16xf32>
        tpu.vector_store %arg11[%swap3A_235, %swap3A_236], %swap3A_239 {strides = array<i32>} : memref<128x128xf32, #tpu.memory_space<vmem>>, vector<1x16xf32>,
        %get3A_240 = arith.index_cast %add3A_219 : i32 to index
        %get3A_241 = arith.constant 32 : index
        %get3A_242 = tpu.vector_load %arg11[%get3A_240, %get3A_241] {strides = array<i32>} : memref<128x128xf32, #tpu.memory_space<vmem>>, vector<1x16xf32>,
        %get3A_243 = vector.shape_cast %get3A_242 : vector<1x16xf32> to vector<16xf32>
        %mul3A_244 = arith.mulf %get3A_243, %gather3A_215 : vector<16xf32>
        %swap3A_245 = arith.index_cast %add3A_219 : i32 to index
        %swap3A_246 = arith.constant 32 : index
        %swap3A_247 = tpu.vector_load %arg11[%swap3A_245, %swap3A_246] {strides = array<i32>} : memref<128x128xf32, #tpu.memory_space<vmem>>, vector<1x16xf32>,
        %swap3A_248 = vector.shape_cast %swap3A_247 : vector<1x16xf32> to vector<16xf32>
        %swap3A_249 = vector.shape_cast %mul3A_244 : vector<16xf32> to vector<1x16xf32>
        tpu.vector_store %arg11[%swap3A_245, %swap3A_246], %swap3A_249 {strides = array<i32>} : memref<128x128xf32, #tpu.memory_space<vmem>>, vector<1x16xf32>,
        %get3A_250 = arith.index_cast %add3A_219 : i32 to index
        %get3A_251 = arith.constant 48 : index
        %get3A_252 = tpu.vector_load %arg11[%get3A_250, %get3A_251] {strides = array<i32>} : memref<128x128xf32, #tpu.memory_space<vmem>>, vector<1x16xf32>,
        %get3A_253 = vector.shape_cast %get3A_252 : vector<1x16xf32> to vector<16xf32>
        %mul3A_254 = arith.mulf %get3A_253, %gather3A_215 : vector<16xf32>
        %swap3A_255 = arith.index_cast %add3A_219 : i32 to index
        %swap3A_256 = arith.constant 48 : index
        %swap3A_257 = tpu.vector_load %arg11[%swap3A_255, %swap3A_256] {strides = array<i32>} : memref<128x128xf32, #tpu.memory_space<vmem>>, vector<1x16xf32>,
        %swap3A_258 = vector.shape_cast %swap3A_257 : vector<1x16xf32> to vector<16xf32>
        %swap3A_259 = vector.shape_cast %mul3A_254 : vector<16xf32> to vector<1x16xf32>
        tpu.vector_store %arg11[%swap3A_255, %swap3A_256], %swap3A_259 {strides = array<i32>} : memref<128x128xf32, #tpu.memory_space<vmem>>, vector<1x16xf32>,
        %get3A_260 = arith.index_cast %add3A_219 : i32 to index
        %get3A_261 = arith.constant 64 : index
        %get3A_262 = tpu.vector_load %arg11[%get3A_260, %get3A_261] {strides = array<i32>} : memref<128x128xf32, #tpu.memory_space<vmem>>, vector<1x16xf32>,
        %get3A_263 = vector.shape_cast %get3A_262 : vector<1x16xf32> to vector<16xf32>
        %mul3A_264 = arith.mulf %get3A_263, %gather3A_215 : vector<16xf32>
        %swap3A_265 = arith.index_cast %add3A_219 : i32 to index
        %swap3A_266 = arith.constant 64 : index
        %swap3A_267 = tpu.vector_load %arg11[%swap3A_265, %swap3A_266] {strides = array<i32>} : memref<128x128xf32, #tpu.memory_space<vmem>>, vector<1x16xf32>,
        %swap3A_268 = vector.shape_cast %swap3A_267 : vector<1x16xf32> to vector<16xf32>
        %swap3A_269 = vector.shape_cast %mul3A_264 : vector<16xf32> to vector<1x16xf32>
        tpu.vector_store %arg11[%swap3A_265, %swap3A_266], %swap3A_269 {strides = array<i32>} : memref<128x128xf32, #tpu.memory_space<vmem>>, vector<1x16xf32>,
        %get3A_270 = arith.index_cast %add3A_219 : i32 to index
        %get3A_271 = arith.constant 80 : index
        %get3A_272 = tpu.vector_load %arg11[%get3A_270, %get3A_271] {strides = array<i32>} : memref<128x128xf32, #tpu.memory_space<vmem>>, vector<1x16xf32>,
        %get3A_273 = vector.shape_cast %get3A_272 : vector<1x16xf32> to vector<16xf32>
        %mul3A_274 = arith.mulf %get3A_273, %gather3A_215 : vector<16xf32>
        %swap3A_275 = arith.index_cast %add3A_219 : i32 to index
        %swap3A_276 = arith.constant 80 : index
        %swap3A_277 = tpu.vector_load %arg11[%swap3A_275, %swap3A_276] {strides = array<i32>} : memref<128x128xf32, #tpu.memory_space<vmem>>, vector<1x16xf32>,
        %swap3A_278 = vector.shape_cast %swap3A_277 : vector<1x16xf32> to vector<16xf32>
        %swap3A_279 = vector.shape_cast %mul3A_274 : vector<16xf32> to vector<1x16xf32>
        tpu.vector_store %arg11[%swap3A_275, %swap3A_276], %swap3A_279 {strides = array<i32>} : memref<128x128xf32, #tpu.memory_space<vmem>>, vector<1x16xf32>,
        %get3A_280 = arith.index_cast %add3A_219 : i32 to index
        %get3A_281 = arith.constant 96 : index
        %get3A_282 = tpu.vector_load %arg11[%get3A_280, %get3A_281] {strides = array<i32>} : memref<128x128xf32, #tpu.memory_space<vmem>>, vector<1x16xf32>,
        %get3A_283 = vector.shape_cast %get3A_282 : vector<1x16xf32> to vector<16xf32>
        %mul3A_284 = arith.mulf %get3A_283, %gather3A_215 : vector<16xf32>
        %swap3A_285 = arith.index_cast %add3A_219 : i32 to index
        %swap3A_286 = arith.constant 96 : index
        %swap3A_287 = tpu.vector_load %arg11[%swap3A_285, %swap3A_286] {strides = array<i32>} : memref<128x128xf32, #tpu.memory_space<vmem>>, vector<1x16xf32>,
        %swap3A_288 = vector.shape_cast %swap3A_287 : vector<1x16xf32> to vector<16xf32>
        %swap3A_289 = vector.shape_cast %mul3A_284 : vector<16xf32> to vector<1x16xf32>
        tpu.vector_store %arg11[%swap3A_285, %swap3A_286], %swap3A_289 {strides = array<i32>} : memref<128x128xf32, #tpu.memory_space<vmem>>, vector<1x16xf32>,
        %get3A_290 = arith.index_cast %add3A_219 : i32 to index
        %get3A_291 = arith.constant 112 : index
        %get3A_292 = tpu.vector_load %arg11[%get3A_290, %get3A_291] {strides = array<i32>} : memref<128x128xf32, #tpu.memory_space<vmem>>, vector<1x16xf32>,
        %get3A_293 = vector.shape_cast %get3A_292 : vector<1x16xf32> to vector<16xf32>
        %mul3A_294 = arith.mulf %get3A_293, %gather3A_215 : vector<16xf32>
        %swap3A_295 = arith.index_cast %add3A_219 : i32 to index
        %swap3A_296 = arith.constant 112 : index
        %swap3A_297 = tpu.vector_load %arg11[%swap3A_295, %swap3A_296] {strides = array<i32>} : memref<128x128xf32, #tpu.memory_space<vmem>>, vector<1x16xf32>,
        %swap3A_298 = vector.shape_cast %swap3A_297 : vector<1x16xf32> to vector<16xf32>
        %swap3A_299 = vector.shape_cast %mul3A_294 : vector<16xf32> to vector<1x16xf32>
        tpu.vector_store %arg11[%swap3A_295, %swap3A_296], %swap3A_299 {strides = array<i32>} : memref<128x128xf32, #tpu.memory_space<vmem>>, vector<1x16xf32>,
        %broadcast_in_dim3A_300 = arith.constant 3 : i32
        %broadcast_in_dim3A_301 = vector.broadcast %broadcast_in_dim3A_300 : i32 to vector<16x1xi32>
        %gather3A_302 = vector.shape_cast %broadcast_in_dim3A_301 : vector<16x1xi32> to vector<16xi32>
        %gather3A_303 = tpu.dynamic_gather %get3A_38[%gather3A_302] in [0] : vector<16xf32>, vector<16xi32> -> vector<16xf32>
        %mul3A_304 = arith.constant 16 : i32
        %mul3A_305 = arith.muli %scan3A_33, %mul3A_304 : i32
        %add3A_306 = arith.constant 3 : i32
        %add3A_307 = arith.addi %mul3A_305, %add3A_306 : i32
        %get3A_308 = arith.index_cast %add3A_307 : i32 to index
        %get3A_309 = arith.constant 0 : index
        %get3A_310 = tpu.vector_load %arg11[%get3A_308, %get3A_309] {strides = array<i32>} : memref<128x128xf32, #tpu.memory_space<vmem>>, vector<1x16xf32>,
        %get3A_311 = vector.shape_cast %get3A_310 : vector<1x16xf32> to vector<16xf32>
        %mul3A_312 = arith.mulf %get3A_311, %gather3A_303 : vector<16xf32>
        %swap3A_313 = arith.index_cast %add3A_307 : i32 to index
        %swap3A_314 = arith.constant 0 : index
        %swap3A_315 = tpu.vector_load %arg11[%swap3A_313, %swap3A_314] {strides = array<i32>} : memref<128x128xf32, #tpu.memory_space<vmem>>, vector<1x16xf32>,
        %swap3A_316 = vector.shape_cast %swap3A_315 : vector<1x16xf32> to vector<16xf32>
        %swap3A_317 = vector.shape_cast %mul3A_312 : vector<16xf32> to vector<1x16xf32>
        tpu.vector_store %arg11[%swap3A_313, %swap3A_314], %swap3A_317 {strides = array<i32>} : memref<128x128xf32, #tpu.memory_space<vmem>>, vector<1x16xf32>,
        %get3A_318 = arith.index_cast %add3A_307 : i32 to index
        %get3A_319 = arith.constant 16 : index
        %get3A_320 = tpu.vector_load %arg11[%get3A_318, %get3A_319] {strides = array<i32>} : memref<128x128xf32, #tpu.memory_space<vmem>>, vector<1x16xf32>,
        %get3A_321 = vector.shape_cast %get3A_320 : vector<1x16xf32> to vector<16xf32>
        %mul3A_322 = arith.mulf %get3A_321, %gather3A_303 : vector<16xf32>
        %swap3A_323 = arith.index_cast %add3A_307 : i32 to index
        %swap3A_324 = arith.constant 16 : index
        %swap3A_325 = tpu.vector_load %arg11[%swap3A_323, %swap3A_324] {strides = array<i32>} : memref<128x128xf32, #tpu.memory_space<vmem>>, vector<1x16xf32>,
        %swap3A_326 = vector.shape_cast %swap3A_325 : vector<1x16xf32> to vector<16xf32>
        %swap3A_327 = vector.shape_cast %mul3A_322 : vector<16xf32> to vector<1x16xf32>
        tpu.vector_store %arg11[%swap3A_323, %swap3A_324], %swap3A_327 {strides = array<i32>} : memref<128x128xf32, #tpu.memory_space<vmem>>, vector<1x16xf32>,
        %get3A_328 = arith.index_cast %add3A_307 : i32 to index
        %get3A_329 = arith.constant 32 : index
        %get3A_330 = tpu.vector_load %arg11[%get3A_328, %get3A_329] {strides = array<i32>} : memref<128x128xf32, #tpu.memory_space<vmem>>, vector<1x16xf32>,
        %get3A_331 = vector.shape_cast %get3A_330 : vector<1x16xf32> to vector<16xf32>
        %mul3A_332 = arith.mulf %get3A_331, %gather3A_303 : vector<16xf32>
        %swap3A_333 = arith.index_cast %add3A_307 : i32 to index
        %swap3A_334 = arith.constant 32 : index
        %swap3A_335 = tpu.vector_load %arg11[%swap3A_333, %swap3A_334] {strides = array<i32>} : memref<128x128xf32, #tpu.memory_space<vmem>>, vector<1x16xf32>,
        %swap3A_336 = vector.shape_cast %swap3A_335 : vector<1x16xf32> to vector<16xf32>
        %swap3A_337 = vector.shape_cast %mul3A_332 : vector<16xf32> to vector<1x16xf32>
        tpu.vector_store %arg11[%swap3A_333, %swap3A_334], %swap3A_337 {strides = array<i32>} : memref<128x128xf32, #tpu.memory_space<vmem>>, vector<1x16xf32>,
        %get3A_338 = arith.index_cast %add3A_307 : i32 to index
        %get3A_339 = arith.constant 48 : index
        %get3A_340 = tpu.vector_load %arg11[%get3A_338, %get3A_339] {strides = array<i32>} : memref<128x128xf32, #tpu.memory_space<vmem>>, vector<1x16xf32>,
        %get3A_341 = vector.shape_cast %get3A_340 : vector<1x16xf32> to vector<16xf32>
        %mul3A_342 = arith.mulf %get3A_341, %gather3A_303 : vector<16xf32>
        %swap3A_343 = arith.index_cast %add3A_307 : i32 to index
        %swap3A_344 = arith.constant 48 : index
        %swap3A_345 = tpu.vector_load %arg11[%swap3A_343, %swap3A_344] {strides = array<i32>} : memref<128x128xf32, #tpu.memory_space<vmem>>, vector<1x16xf32>,
        %swap3A_346 = vector.shape_cast %swap3A_345 : vector<1x16xf32> to vector<16xf32>
        %swap3A_347 = vector.shape_cast %mul3A_342 : vector<16xf32> to vector<1x16xf32>
        tpu.vector_store %arg11[%swap3A_343, %swap3A_344], %swap3A_347 {strides = array<i32>} : memref<128x128xf32, #tpu.memory_space<vmem>>, vector<1x16xf32>,
        %get3A_348 = arith.index_cast %add3A_307 : i32 to index
        %get3A_349 = arith.constant 64 : index
        %get3A_350 = tpu.vector_load %arg11[%get3A_348, %get3A_349] {strides = array<i32>} : memref<128x128xf32, #tpu.memory_space<vmem>>, vector<1x16xf32>,
        %get3A_351 = vector.shape_cast %get3A_350 : vector<1x16xf32> to vector<16xf32>
        %mul3A_352 = arith.mulf %get3A_351, %gather3A_303 : vector<16xf32>
        %swap3A_353 = arith.index_cast %add3A_307 : i32 to index
        %swap3A_354 = arith.constant 64 : index
        %swap3A_355 = tpu.vector_load %arg11[%swap3A_353, %swap3A_354] {strides = array<i32>} : memref<128x128xf32, #tpu.memory_space<vmem>>, vector<1x16xf32>,
        %swap3A_356 = vector.shape_cast %swap3A_355 : vector<1x16xf32> to vector<16xf32>
        %swap3A_357 = vector.shape_cast %mul3A_352 : vector<16xf32> to vector<1x16xf32>
        tpu.vector_store %arg11[%swap3A_353, %swap3A_354], %swap3A_357 {strides = array<i32>} : memref<128x128xf32, #tpu.memory_space<vmem>>, vector<1x16xf32>,
        %get3A_358 = arith.index_cast %add3A_307 : i32 to index
        %get3A_359 = arith.constant 80 : index
        %get3A_360 = tpu.vector_load %arg11[%get3A_358, %get3A_359] {strides = array<i32>} : memref<128x128xf32, #tpu.memory_space<vmem>>, vector<1x16xf32>,
        %get3A_361 = vector.shape_cast %get3A_360 : vector<1x16xf32> to vector<16xf32>
        %mul3A_362 = arith.mulf %get3A_361, %gather3A_303 : vector<16xf32>
        %swap3A_363 = arith.index_cast %add3A_307 : i32 to index
        %swap3A_364 = arith.constant 80 : index
        %swap3A_365 = tpu.vector_load %arg11[%swap3A_363, %swap3A_364] {strides = array<i32>} : memref<128x128xf32, #tpu.memory_space<vmem>>, vector<1x16xf32>,
        %swap3A_366 = vector.shape_cast %swap3A_365 : vector<1x16xf32> to vector<16xf32>
        %swap3A_367 = vector.shape_cast %mul3A_362 : vector<16xf32> to vector<1x16xf32>
        tpu.vector_store %arg11[%swap3A_363, %swap3A_364], %swap3A_367 {strides = array<i32>} : memref<128x128xf32, #tpu.memory_space<vmem>>, vector<1x16xf32>,
        %get3A_368 = arith.index_cast %add3A_307 : i32 to index
        %get3A_369 = arith.constant 96 : index
        %get3A_370 = tpu.vector_load %arg11[%get3A_368, %get3A_369] {strides = array<i32>} : memref<128x128xf32, #tpu.memory_space<vmem>>, vector<1x16xf32>,
        %get3A_371 = vector.shape_cast %get3A_370 : vector<1x16xf32> to vector<16xf32>
        %mul3A_372 = arith.mulf %get3A_371, %gather3A_303 : vector<16xf32>
        %swap3A_373 = arith.index_cast %add3A_307 : i32 to index
        %swap3A_374 = arith.constant 96 : index
        %swap3A_375 = tpu.vector_load %arg11[%swap3A_373, %swap3A_374] {strides = array<i32>} : memref<128x128xf32, #tpu.memory_space<vmem>>, vector<1x16xf32>,
        %swap3A_376 = vector.shape_cast %swap3A_375 : vector<1x16xf32> to vector<16xf32>
        %swap3A_377 = vector.shape_cast %mul3A_372 : vector<16xf32> to vector<1x16xf32>
        tpu.vector_store %arg11[%swap3A_373, %swap3A_374], %swap3A_377 {strides = array<i32>} : memref<128x128xf32, #tpu.memory_space<vmem>>, vector<1x16xf32>,
        %get3A_378 = arith.index_cast %add3A_307 : i32 to index
        %get3A_379 = arith.constant 112 : index
        %get3A_380 = tpu.vector_load %arg11[%get3A_378, %get3A_379] {strides = array<i32>} : memref<128x128xf32, #tpu.memory_space<vmem>>, vector<1x16xf32>,
        %get3A_381 = vector.shape_cast %get3A_380 : vector<1x16xf32> to vector<16xf32>
        %mul3A_382 = arith.mulf %get3A_381, %gather3A_303 : vector<16xf32>
        %swap3A_383 = arith.index_cast %add3A_307 : i32 to index
        %swap3A_384 = arith.constant 112 : index
        %swap3A_385 = tpu.vector_load %arg11[%swap3A_383, %swap3A_384] {strides = array<i32>} : memref<128x128xf32, #tpu.memory_space<vmem>>, vector<1x16xf32>,
        %swap3A_386 = vector.shape_cast %swap3A_385 : vector<1x16xf32> to vector<16xf32>
        %swap3A_387 = vector.shape_cast %mul3A_382 : vector<16xf32> to vector<1x16xf32>
        tpu.vector_store %arg11[%swap3A_383, %swap3A_384], %swap3A_387 {strides = array<i32>} : memref<128x128xf32, #tpu.memory_space<vmem>>, vector<1x16xf32>,
        %broadcast_in_dim3A_388 = arith.constant 4 : i32
        %broadcast_in_dim3A_389 = vector.broadcast %broadcast_in_dim3A_388 : i32 to vector<16x1xi32>
        %gather3A_390 = vector.shape_cast %broadcast_in_dim3A_389 : vector<16x1xi32> to vector<16xi32>
        %gather3A_391 = tpu.dynamic_gather %get3A_38[%gather3A_390] in [0] : vector<16xf32>, vector<16xi32> -> vector<16xf32>
        %mul3A_392 = arith.constant 16 : i32
        %mul3A_393 = arith.muli %scan3A_33, %mul3A_392 : i32
        %add3A_394 = arith.constant 4 : i32
        %add3A_395 = arith.addi %mul3A_393, %add3A_394 : i32
        %get3A_396 = arith.index_cast %add3A_395 : i32 to index
        %get3A_397 = arith.constant 0 : index
        %get3A_398 = tpu.vector_load %arg11[%get3A_396, %get3A_397] {strides = array<i32>} : memref<128x128xf32, #tpu.memory_space<vmem>>, vector<1x16xf32>,
        %get3A_399 = vector.shape_cast %get3A_398 : vector<1x16xf32> to vector<16xf32>
        %mul3A_400 = arith.mulf %get3A_399, %gather3A_391 : vector<16xf32>
        %swap3A_401 = arith.index_cast %add3A_395 : i32 to index
        %swap3A_402 = arith.constant 0 : index
        %swap3A_403 = tpu.vector_load %arg11[%swap3A_401, %swap3A_402] {strides = array<i32>} : memref<128x128xf32, #tpu.memory_space<vmem>>, vector<1x16xf32>,
        %swap3A_404 = vector.shape_cast %swap3A_403 : vector<1x16xf32> to vector<16xf32>
        %swap3A_405 = vector.shape_cast %mul3A_400 : vector<16xf32> to vector<1x16xf32>
        tpu.vector_store %arg11[%swap3A_401, %swap3A_402], %swap3A_405 {strides = array<i32>} : memref<128x128xf32, #tpu.memory_space<vmem>>, vector<1x16xf32>,
        %get3A_406 = arith.index_cast %add3A_395 : i32 to index
        %get3A_407 = arith.constant 16 : index
        %get3A_408 = tpu.vector_load %arg11[%get3A_406, %get3A_407] {strides = array<i32>} : memref<128x128xf32, #tpu.memory_space<vmem>>, vector<1x16xf32>,
        %get3A_409 = vector.shape_cast %get3A_408 : vector<1x16xf32> to vector<16xf32>
        %mul3A_410 = arith.mulf %get3A_409, %gather3A_391 : vector<16xf32>
        %swap3A_411 = arith.index_cast %add3A_395 : i32 to index
        %swap3A_412 = arith.constant 16 : index
        %swap3A_413 = tpu.vector_load %arg11[%swap3A_411, %swap3A_412] {strides = array<i32>} : memref<128x128xf32, #tpu.memory_space<vmem>>, vector<1x16xf32>,
        %swap3A_414 = vector.shape_cast %swap3A_413 : vector<1x16xf32> to vector<16xf32>
        %swap3A_415 = vector.shape_cast %mul3A_410 : vector<16xf32> to vector<1x16xf32>
        tpu.vector_store %arg11[%swap3A_411, %swap3A_412], %swap3A_415 {strides = array<i32>} : memref<128x128xf32, #tpu.memory_space<vmem>>, vector<1x16xf32>,
        %get3A_416 = arith.index_cast %add3A_395 : i32 to index
        %get3A_417 = arith.constant 32 : index
        %get3A_418 = tpu.vector_load %arg11[%get3A_416, %get3A_417] {strides = array<i32>} : memref<128x128xf32, #tpu.memory_space<vmem>>, vector<1x16xf32>,
        %get3A_419 = vector.shape_cast %get3A_418 : vector<1x16xf32> to vector<16xf32>
        %mul3A_420 = arith.mulf %get3A_419, %gather3A_391 : vector<16xf32>
        %swap3A_421 = arith.index_cast %add3A_395 : i32 to index
        %swap3A_422 = arith.constant 32 : index
        %swap3A_423 = tpu.vector_load %arg11[%swap3A_421, %swap3A_422] {strides = array<i32>} : memref<128x128xf32, #tpu.memory_space<vmem>>, vector<1x16xf32>,
        %swap3A_424 = vector.shape_cast %swap3A_423 : vector<1x16xf32> to vector<16xf32>
        %swap3A_425 = vector.shape_cast %mul3A_420 : vector<16xf32> to vector<1x16xf32>
        tpu.vector_store %arg11[%swap3A_421, %swap3A_422], %swap3A_425 {strides = array<i32>} : memref<128x128xf32, #tpu.memory_space<vmem>>, vector<1x16xf32>,
        %get3A_426 = arith.index_cast %add3A_395 : i32 to index
        %get3A_427 = arith.constant 48 : index
        %get3A_428 = tpu.vector_load %arg11[%get3A_426, %get3A_427] {strides = array<i32>} : memref<128x128xf32, #tpu.memory_space<vmem>>, vector<1x16xf32>,
        %get3A_429 = vector.shape_cast %get3A_428 : vector<1x16xf32> to vector<16xf32>
        %mul3A_430 = arith.mulf %get3A_429, %gather3A_391 : vector<16xf32>
        %swap3A_431 = arith.index_cast %add3A_395 : i32 to index
        %swap3A_432 = arith.constant 48 : index
        %swap3A_433 = tpu.vector_load %arg11[%swap3A_431, %swap3A_432] {strides = array<i32>} : memref<128x128xf32, #tpu.memory_space<vmem>>, vector<1x16xf32>,
        %swap3A_434 = vector.shape_cast %swap3A_433 : vector<1x16xf32> to vector<16xf32>
        %swap3A_435 = vector.shape_cast %mul3A_430 : vector<16xf32> to vector<1x16xf32>
        tpu.vector_store %arg11[%swap3A_431, %swap3A_432], %swap3A_435 {strides = array<i32>} : memref<128x128xf32, #tpu.memory_space<vmem>>, vector<1x16xf32>,
        %get3A_436 = arith.index_cast %add3A_395 : i32 to index
        %get3A_437 = arith.constant 64 : index
        %get3A_438 = tpu.vector_load %arg11[%get3A_436, %get3A_437] {strides = array<i32>} : memref<128x128xf32, #tpu.memory_space<vmem>>, vector<1x16xf32>,
        %get3A_439 = vector.shape_cast %get3A_438 : vector<1x16xf32> to vector<16xf32>
        %mul3A_440 = arith.mulf %get3A_439, %gather3A_391 : vector<16xf32>
        %swap3A_441 = arith.index_cast %add3A_395 : i32 to index
        %swap3A_442 = arith.constant 64 : index
        %swap3A_443 = tpu.vector_load %arg11[%swap3A_441, %swap3A_442] {strides = array<i32>} : memref<128x128xf32, #tpu.memory_space<vmem>>, vector<1x16xf32>,
        %swap3A_444 = vector.shape_cast %swap3A_443 : vector<1x16xf32> to vector<16xf32>
        %swap3A_445 = vector.shape_cast %mul3A_440 : vector<16xf32> to vector<1x16xf32>
        tpu.vector_store %arg11[%swap3A_441, %swap3A_442], %swap3A_445 {strides = array<i32>} : memref<128x128xf32, #tpu.memory_space<vmem>>, vector<1x16xf32>,
        %get3A_446 = arith.index_cast %add3A_395 : i32 to index
        %get3A_447 = arith.constant 80 : index
        %get3A_448 = tpu.vector_load %arg11[%get3A_446, %get3A_447] {strides = array<i32>} : memref<128x128xf32, #tpu.memory_space<vmem>>, vector<1x16xf32>,
        %get3A_449 = vector.shape_cast %get3A_448 : vector<1x16xf32> to vector<16xf32>
        %mul3A_450 = arith.mulf %get3A_449, %gather3A_391 : vector<16xf32>
        %swap3A_451 = arith.index_cast %add3A_395 : i32 to index
        %swap3A_452 = arith.constant 80 : index
        %swap3A_453 = tpu.vector_load %arg11[%swap3A_451, %swap3A_452] {strides = array<i32>} : memref<128x128xf32, #tpu.memory_space<vmem>>, vector<1x16xf32>,
        %swap3A_454 = vector.shape_cast %swap3A_453 : vector<1x16xf32> to vector<16xf32>
        %swap3A_455 = vector.shape_cast %mul3A_450 : vector<16xf32> to vector<1x16xf32>
        tpu.vector_store %arg11[%swap3A_451, %swap3A_452], %swap3A_455 {strides = array<i32>} : memref<128x128xf32, #tpu.memory_space<vmem>>, vector<1x16xf32>,
        %get3A_456 = arith.index_cast %add3A_395 : i32 to index
        %get3A_457 = arith.constant 96 : index
        %get3A_458 = tpu.vector_load %arg11[%get3A_456, %get3A_457] {strides = array<i32>} : memref<128x128xf32, #tpu.memory_space<vmem>>, vector<1x16xf32>,
        %get3A_459 = vector.shape_cast %get3A_458 : vector<1x16xf32> to vector<16xf32>
        %mul3A_460 = arith.mulf %get3A_459, %gather3A_391 : vector<16xf32>
        %swap3A_461 = arith.index_cast %add3A_395 : i32 to index
        %swap3A_462 = arith.constant 96 : index
        %swap3A_463 = tpu.vector_load %arg11[%swap3A_461, %swap3A_462] {strides = array<i32>} : memref<128x128xf32, #tpu.memory_space<vmem>>, vector<1x16xf32>,
        %swap3A_464 = vector.shape_cast %swap3A_463 : vector<1x16xf32> to vector<16xf32>
        %swap3A_465 = vector.shape_cast %mul3A_460 : vector<16xf32> to vector<1x16xf32>
        tpu.vector_store %arg11[%swap3A_461, %swap3A_462], %swap3A_465 {strides = array<i32>} : memref<128x128xf32, #tpu.memory_space<vmem>>, vector<1x16xf32>,
        %get3A_466 = arith.index_cast %add3A_395 : i32 to index
        %get3A_467 = arith.constant 112 : index
        %get3A_468 = tpu.vector_load %arg11[%get3A_466, %get3A_467] {strides = array<i32>} : memref<128x128xf32, #tpu.memory_space<vmem>>, vector<1x16xf32>,
        %get3A_469 = vector.shape_cast %get3A_468 : vector<1x16xf32> to vector<16xf32>
        %mul3A_470 = arith.mulf %get3A_469, %gather3A_391 : vector<16xf32>
        %swap3A_471 = arith.index_cast %add3A_395 : i32 to index
        %swap3A_472 = arith.constant 112 : index
        %swap3A_473 = tpu.vector_load %arg11[%swap3A_471, %swap3A_472] {strides = array<i32>} : memref<128x128xf32, #tpu.memory_space<vmem>>, vector<1x16xf32>,
        %swap3A_474 = vector.shape_cast %swap3A_473 : vector<1x16xf32> to vector<16xf32>
        %swap3A_475 = vector.shape_cast %mul3A_470 : vector<16xf32> to vector<1x16xf32>
        tpu.vector_store %arg11[%swap3A_471, %swap3A_472], %swap3A_475 {strides = array<i32>} : memref<128x128xf32, #tpu.memory_space<vmem>>, vector<1x16xf32>,
        %broadcast_in_dim3A_476 = arith.constant 5 : i32
        %broadcast_in_dim3A_477 = vector.broadcast %broadcast_in_dim3A_476 : i32 to vector<16x1xi32>
        %gather3A_478 = vector.shape_cast %broadcast_in_dim3A_477 : vector<16x1xi32> to vector<16xi32>
        %gather3A_479 = tpu.dynamic_gather %get3A_38[%gather3A_478] in [0] : vector<16xf32>, vector<16xi32> -> vector<16xf32>
        %mul3A_480 = arith.constant 16 : i32
        %mul3A_481 = arith.muli %scan3A_33, %mul3A_480 : i32
        %add3A_482 = arith.constant 5 : i32
        %add3A_483 = arith.addi %mul3A_481, %add3A_482 : i32
        %get3A_484 = arith.index_cast %add3A_483 : i32 to index
        %get3A_485 = arith.constant 0 : index
        %get3A_486 = tpu.vector_load %arg11[%get3A_484, %get3A_485] {strides = array<i32>} : memref<128x128xf32, #tpu.memory_space<vmem>>, vector<1x16xf32>,
        %get3A_487 = vector.shape_cast %get3A_486 : vector<1x16xf32> to vector<16xf32>
        %mul3A_488 = arith.mulf %get3A_487, %gather3A_479 : vector<16xf32>
        %swap3A_489 = arith.index_cast %add3A_483 : i32 to index
        %swap3A_490 = arith.constant 0 : index
        %swap3A_491 = tpu.vector_load %arg11[%swap3A_489, %swap3A_490] {strides = array<i32>} : memref<128x128xf32, #tpu.memory_space<vmem>>, vector<1x16xf32>,
        %swap3A_492 = vector.shape_cast %swap3A_491 : vector<1x16xf32> to vector<16xf32>
        %swap3A_493 = vector.shape_cast %mul3A_488 : vector<16xf32> to vector<1x16xf32>
        tpu.vector_store %arg11[%swap3A_489, %swap3A_490], %swap3A_493 {strides = array<i32>} : memref<128x128xf32, #tpu.memory_space<vmem>>, vector<1x16xf32>,
        %get3A_494 = arith.index_cast %add3A_483 : i32 to index
        %get3A_495 = arith.constant 16 : index
        %get3A_496 = tpu.vector_load %arg11[%get3A_494, %get3A_495] {strides = array<i32>} : memref<128x128xf32, #tpu.memory_space<vmem>>, vector<1x16xf32>,
        %get3A_497 = vector.shape_cast %get3A_496 : vector<1x16xf32> to vector<16xf32>
        %mul3A_498 = arith.mulf %get3A_497, %gather3A_479 : vector<16xf32>
        %swap3A_499 = arith.index_cast %add3A_483 : i32 to index
        %swap3A_500 = arith.constant 16 : index
        %swap3A_501 = tpu.vector_load %arg11[%swap3A_499, %swap3A_500] {strides = array<i32>} : memref<128x128xf32, #tpu.memory_space<vmem>>, vector<1x16xf32>,
        %swap3A_502 = vector.shape_cast %swap3A_501 : vector<1x16xf32> to vector<16xf32>
        %swap3A_503 = vector.shape_cast %mul3A_498 : vector<16xf32> to vector<1x16xf32>
        tpu.vector_store %arg11[%swap3A_499, %swap3A_500], %swap3A_503 {strides = array<i32>} : memref<128x128xf32, #tpu.memory_space<vmem>>, vector<1x16xf32>,
        %get3A_504 = arith.index_cast %add3A_483 : i32 to index
        %get3A_505 = arith.constant 32 : index
        %get3A_506 = tpu.vector_load %arg11[%get3A_504, %get3A_505] {strides = array<i32>} : memref<128x128xf32, #tpu.memory_space<vmem>>, vector<1x16xf32>,
        %get3A_507 = vector.shape_cast %get3A_506 : vector<1x16xf32> to vector<16xf32>
        %mul3A_508 = arith.mulf %get3A_507, %gather3A_479 : vector<16xf32>
        %swap3A_509 = arith.index_cast %add3A_483 : i32 to index
        %swap3A_510 = arith.constant 32 : index
        %swap3A_511 = tpu.vector_load %arg11[%swap3A_509, %swap3A_510] {strides = array<i32>} : memref<128x128xf32, #tpu.memory_space<vmem>>, vector<1x16xf32>,
        %swap3A_512 = vector.shape_cast %swap3A_511 : vector<1x16xf32> to vector<16xf32>
        %swap3A_513 = vector.shape_cast %mul3A_508 : vector<16xf32> to vector<1x16xf32>
        tpu.vector_store %arg11[%swap3A_509, %swap3A_510], %swap3A_513 {strides = array<i32>} : memref<128x128xf32, #tpu.memory_space<vmem>>, vector<1x16xf32>,
        %get3A_514 = arith.index_cast %add3A_483 : i32 to index
        %get3A_515 = arith.constant 48 : index
        %get3A_516 = tpu.vector_load %arg11[%get3A_514, %get3A_515] {strides = array<i32>} : memref<128x128xf32, #tpu.memory_space<vmem>>, vector<1x16xf32>,
        %get3A_517 = vector.shape_cast %get3A_516 : vector<1x16xf32> to vector<16xf32>
        %mul3A_518 = arith.mulf %get3A_517, %gather3A_479 : vector<16xf32>
        %swap3A_519 = arith.index_cast %add3A_483 : i32 to index
        %swap3A_520 = arith.constant 48 : index
        %swap3A_521 = tpu.vector_load %arg11[%swap3A_519, %swap3A_520] {strides = array<i32>} : memref<128x128xf32, #tpu.memory_space<vmem>>, vector<1x16xf32>,
        %swap3A_522 = vector.shape_cast %swap3A_521 : vector<1x16xf32> to vector<16xf32>
        %swap3A_523 = vector.shape_cast %mul3A_518 : vector<16xf32> to vector<1x16xf32>
        tpu.vector_store %arg11[%swap3A_519, %swap3A_520], %swap3A_523 {strides = array<i32>} : memref<128x128xf32, #tpu.memory_space<vmem>>, vector<1x16xf32>,
        %get3A_524 = arith.index_cast %add3A_483 : i32 to index
        %get3A_525 = arith.constant 64 : index
        %get3A_526 = tpu.vector_load %arg11[%get3A_524, %get3A_525] {strides = array<i32>} : memref<128x128xf32, #tpu.memory_space<vmem>>, vector<1x16xf32>,
        %get3A_527 = vector.shape_cast %get3A_526 : vector<1x16xf32> to vector<16xf32>
        %mul3A_528 = arith.mulf %get3A_527, %gather3A_479 : vector<16xf32>
        %swap3A_529 = arith.index_cast %add3A_483 : i32 to index
        %swap3A_530 = arith.constant 64 : index
        %swap3A_531 = tpu.vector_load %arg11[%swap3A_529, %swap3A_530] {strides = array<i32>} : memref<128x128xf32, #tpu.memory_space<vmem>>, vector<1x16xf32>,
        %swap3A_532 = vector.shape_cast %swap3A_531 : vector<1x16xf32> to vector<16xf32>
        %swap3A_533 = vector.shape_cast %mul3A_528 : vector<16xf32> to vector<1x16xf32>
        tpu.vector_store %arg11[%swap3A_529, %swap3A_530], %swap3A_533 {strides = array<i32>} : memref<128x128xf32, #tpu.memory_space<vmem>>, vector<1x16xf32>,
        %get3A_534 = arith.index_cast %add3A_483 : i32 to index
        %get3A_535 = arith.constant 80 : index
        %get3A_536 = tpu.vector_load %arg11[%get3A_534, %get3A_535] {strides = array<i32>} : memref<128x128xf32, #tpu.memory_space<vmem>>, vector<1x16xf32>,
        %get3A_537 = vector.shape_cast %get3A_536 : vector<1x16xf32> to vector<16xf32>
        %mul3A_538 = arith.mulf %get3A_537, %gather3A_479 : vector<16xf32>
        %swap3A_539 = arith.index_cast %add3A_483 : i32 to index
        %swap3A_540 = arith.constant 80 : index
        %swap3A_541 = tpu.vector_load %arg11[%swap3A_539, %swap3A_540] {strides = array<i32>} : memref<128x128xf32, #tpu.memory_space<vmem>>, vector<1x16xf32>,
        %swap3A_542 = vector.shape_cast %swap3A_541 : vector<1x16xf32> to vector<16xf32>
        %swap3A_543 = vector.shape_cast %mul3A_538 : vector<16xf32> to vector<1x16xf32>
        tpu.vector_store %arg11[%swap3A_539, %swap3A_540], %swap3A_543 {strides = array<i32>} : memref<128x128xf32, #tpu.memory_space<vmem>>, vector<1x16xf32>,
        %get3A_544 = arith.index_cast %add3A_483 : i32 to index
        %get3A_545 = arith.constant 96 : index
        %get3A_546 = tpu.vector_load %arg11[%get3A_544, %get3A_545] {strides = array<i32>} : memref<128x128xf32, #tpu.memory_space<vmem>>, vector<1x16xf32>,
        %get3A_547 = vector.shape_cast %get3A_546 : vector<1x16xf32> to vector<16xf32>
        %mul3A_548 = arith.mulf %get3A_547, %gather3A_479 : vector<16xf32>
        %swap3A_549 = arith.index_cast %add3A_483 : i32 to index
        %swap3A_550 = arith.constant 96 : index
        %swap3A_551 = tpu.vector_load %arg11[%swap3A_549, %swap3A_550] {strides = array<i32>} : memref<128x128xf32, #tpu.memory_space<vmem>>, vector<1x16xf32>,
        %swap3A_552 = vector.shape_cast %swap3A_551 : vector<1x16xf32> to vector<16xf32>
        %swap3A_553 = vector.shape_cast %mul3A_548 : vector<16xf32> to vector<1x16xf32>
        tpu.vector_store %arg11[%swap3A_549, %swap3A_550], %swap3A_553 {strides = array<i32>} : memref<128x128xf32, #tpu.memory_space<vmem>>, vector<1x16xf32>,
        %get3A_554 = arith.index_cast %add3A_483 : i32 to index
        %get3A_555 = arith.constant 112 : index
        %get3A_556 = tpu.vector_load %arg11[%get3A_554, %get3A_555] {strides = array<i32>} : memref<128x128xf32, #tpu.memory_space<vmem>>, vector<1x16xf32>,
        %get3A_557 = vector.shape_cast %get3A_556 : vector<1x16xf32> to vector<16xf32>
        %mul3A_558 = arith.mulf %get3A_557, %gather3A_479 : vector<16xf32>
        %swap3A_559 = arith.index_cast %add3A_483 : i32 to index
        %swap3A_560 = arith.constant 112 : index
        %swap3A_561 = tpu.vector_load %arg11[%swap3A_559, %swap3A_560] {strides = array<i32>} : memref<128x128xf32, #tpu.memory_space<vmem>>, vector<1x16xf32>,
        %swap3A_562 = vector.shape_cast %swap3A_561 : vector<1x16xf32> to vector<16xf32>
        %swap3A_563 = vector.shape_cast %mul3A_558 : vector<16xf32> to vector<1x16xf32>
        tpu.vector_store %arg11[%swap3A_559, %swap3A_560], %swap3A_563 {strides = array<i32>} : memref<128x128xf32, #tpu.memory_space<vmem>>, vector<1x16xf32>,
        %broadcast_in_dim3A_564 = arith.constant 6 : i32
        %broadcast_in_dim3A_565 = vector.broadcast %broadcast_in_dim3A_564 : i32 to vector<16x1xi32>
        %gather3A_566 = vector.shape_cast %broadcast_in_dim3A_565 : vector<16x1xi32> to vector<16xi32>
        %gather3A_567 = tpu.dynamic_gather %get3A_38[%gather3A_566] in [0] : vector<16xf32>, vector<16xi32> -> vector<16xf32>
        %mul3A_568 = arith.constant 16 : i32
        %mul3A_569 = arith.muli %scan3A_33, %mul3A_568 : i32
        %add3A_570 = arith.constant 6 : i32
        %add3A_571 = arith.addi %mul3A_569, %add3A_570 : i32
        %get3A_572 = arith.index_cast %add3A_571 : i32 to index
        %get3A_573 = arith.constant 0 : index
        %get3A_574 = tpu.vector_load %arg11[%get3A_572, %get3A_573] {strides = array<i32>} : memref<128x128xf32, #tpu.memory_space<vmem>>, vector<1x16xf32>,
        %get3A_575 = vector.shape_cast %get3A_574 : vector<1x16xf32> to vector<16xf32>
        %mul3A_576 = arith.mulf %get3A_575, %gather3A_567 : vector<16xf32>
        %swap3A_577 = arith.index_cast %add3A_571 : i32 to index
        %swap3A_578 = arith.constant 0 : index
        %swap3A_579 = tpu.vector_load %arg11[%swap3A_577, %swap3A_578] {strides = array<i32>} : memref<128x128xf32, #tpu.memory_space<vmem>>, vector<1x16xf32>,
        %swap3A_580 = vector.shape_cast %swap3A_579 : vector<1x16xf32> to vector<16xf32>
        %swap3A_581 = vector.shape_cast %mul3A_576 : vector<16xf32> to vector<1x16xf32>
        tpu.vector_store %arg11[%swap3A_577, %swap3A_578], %swap3A_581 {strides = array<i32>} : memref<128x128xf32, #tpu.memory_space<vmem>>, vector<1x16xf32>,
        %get3A_582 = arith.index_cast %add3A_571 : i32 to index
        %get3A_583 = arith.constant 16 : index
        %get3A_584 = tpu.vector_load %arg11[%get3A_582, %get3A_583] {strides = array<i32>} : memref<128x128xf32, #tpu.memory_space<vmem>>, vector<1x16xf32>,
        %get3A_585 = vector.shape_cast %get3A_584 : vector<1x16xf32> to vector<16xf32>
        %mul3A_586 = arith.mulf %get3A_585, %gather3A_567 : vector<16xf32>
        %swap3A_587 = arith.index_cast %add3A_571 : i32 to index
        %swap3A_588 = arith.constant 16 : index
        %swap3A_589 = tpu.vector_load %arg11[%swap3A_587, %swap3A_588] {strides = array<i32>} : memref<128x128xf32, #tpu.memory_space<vmem>>, vector<1x16xf32>,
        %swap3A_590 = vector.shape_cast %swap3A_589 : vector<1x16xf32> to vector<16xf32>
        %swap3A_591 = vector.shape_cast %mul3A_586 : vector<16xf32> to vector<1x16xf32>
        tpu.vector_store %arg11[%swap3A_587, %swap3A_588], %swap3A_591 {strides = array<i32>} : memref<128x128xf32, #tpu.memory_space<vmem>>, vector<1x16xf32>,
        %get3A_592 = arith.index_cast %add3A_571 : i32 to index
        %get3A_593 = arith.constant 32 : index
        %get3A_594 = tpu.vector_load %arg11[%get3A_592, %get3A_593] {strides = array<i32>} : memref<128x128xf32, #tpu.memory_space<vmem>>, vector<1x16xf32>,
        %get3A_595 = vector.shape_cast %get3A_594 : vector<1x16xf32> to vector<16xf32>
        %mul3A_596 = arith.mulf %get3A_595, %gather3A_567 : vector<16xf32>
        %swap3A_597 = arith.index_cast %add3A_571 : i32 to index
        %swap3A_598 = arith.constant 32 : index
        %swap3A_599 = tpu.vector_load %arg11[%swap3A_597, %swap3A_598] {strides = array<i32>} : memref<128x128xf32, #tpu.memory_space<vmem>>, vector<1x16xf32>,
        %swap3A_600 = vector.shape_cast %swap3A_599 : vector<1x16xf32> to vector<16xf32>
        %swap3A_601 = vector.shape_cast %mul3A_596 : vector<16xf32> to vector<1x16xf32>
        tpu.vector_store %arg11[%swap3A_597, %swap3A_598], %swap3A_601 {strides = array<i32>} : memref<128x128xf32, #tpu.memory_space<vmem>>, vector<1x16xf32>,
        %get3A_602 = arith.index_cast %add3A_571 : i32 to index
        %get3A_603 = arith.constant 48 : index
        %get3A_604 = tpu.vector_load %arg11[%get3A_602, %get3A_603] {strides = array<i32>} : memref<128x128xf32, #tpu.memory_space<vmem>>, vector<1x16xf32>,
        %get3A_605 = vector.shape_cast %get3A_604 : vector<1x16xf32> to vector<16xf32>
        %mul3A_606 = arith.mulf %get3A_605, %gather3A_567 : vector<16xf32>
        %swap3A_607 = arith.index_cast %add3A_571 : i32 to index
        %swap3A_608 = arith.constant 48 : index
        %swap3A_609 = tpu.vector_load %arg11[%swap3A_607, %swap3A_608] {strides = array<i32>} : memref<128x128xf32, #tpu.memory_space<vmem>>, vector<1x16xf32>,
        %swap3A_610 = vector.shape_cast %swap3A_609 : vector<1x16xf32> to vector<16xf32>
        %swap3A_611 = vector.shape_cast %mul3A_606 : vector<16xf32> to vector<1x16xf32>
        tpu.vector_store %arg11[%swap3A_607, %swap3A_608], %swap3A_611 {strides = array<i32>} : memref<128x128xf32, #tpu.memory_space<vmem>>, vector<1x16xf32>,
        %get3A_612 = arith.index_cast %add3A_571 : i32 to index
        %get3A_613 = arith.constant 64 : index
        %get3A_614 = tpu.vector_load %arg11[%get3A_612, %get3A_613] {strides = array<i32>} : memref<128x128xf32, #tpu.memory_space<vmem>>, vector<1x16xf32>,
        %get3A_615 = vector.shape_cast %get3A_614 : vector<1x16xf32> to vector<16xf32>
        %mul3A_616 = arith.mulf %get3A_615, %gather3A_567 : vector<16xf32>
        %swap3A_617 = arith.index_cast %add3A_571 : i32 to index
        %swap3A_618 = arith.constant 64 : index
        %swap3A_619 = tpu.vector_load %arg11[%swap3A_617, %swap3A_618] {strides = array<i32>} : memref<128x128xf32, #tpu.memory_space<vmem>>, vector<1x16xf32>,
        %swap3A_620 = vector.shape_cast %swap3A_619 : vector<1x16xf32> to vector<16xf32>
        %swap3A_621 = vector.shape_cast %mul3A_616 : vector<16xf32> to vector<1x16xf32>
        tpu.vector_store %arg11[%swap3A_617, %swap3A_618], %swap3A_621 {strides = array<i32>} : memref<128x128xf32, #tpu.memory_space<vmem>>, vector<1x16xf32>,
        %get3A_622 = arith.index_cast %add3A_571 : i32 to index
        %get3A_623 = arith.constant 80 : index
        %get3A_624 = tpu.vector_load %arg11[%get3A_622, %get3A_623] {strides = array<i32>} : memref<128x128xf32, #tpu.memory_space<vmem>>, vector<1x16xf32>,
        %get3A_625 = vector.shape_cast %get3A_624 : vector<1x16xf32> to vector<16xf32>
        %mul3A_626 = arith.mulf %get3A_625, %gather3A_567 : vector<16xf32>
        %swap3A_627 = arith.index_cast %add3A_571 : i32 to index
        %swap3A_628 = arith.constant 80 : index
        %swap3A_629 = tpu.vector_load %arg11[%swap3A_627, %swap3A_628] {strides = array<i32>} : memref<128x128xf32, #tpu.memory_space<vmem>>, vector<1x16xf32>,
        %swap3A_630 = vector.shape_cast %swap3A_629 : vector<1x16xf32> to vector<16xf32>
        %swap3A_631 = vector.shape_cast %mul3A_626 : vector<16xf32> to vector<1x16xf32>
        tpu.vector_store %arg11[%swap3A_627, %swap3A_628], %swap3A_631 {strides = array<i32>} : memref<128x128xf32, #tpu.memory_space<vmem>>, vector<1x16xf32>,
        %get3A_632 = arith.index_cast %add3A_571 : i32 to index
        %get3A_633 = arith.constant 96 : index
        %get3A_634 = tpu.vector_load %arg11[%get3A_632, %get3A_633] {strides = array<i32>} : memref<128x128xf32, #tpu.memory_space<vmem>>, vector<1x16xf32>,
        %get3A_635 = vector.shape_cast %get3A_634 : vector<1x16xf32> to vector<16xf32>
        %mul3A_636 = arith.mulf %get3A_635, %gather3A_567 : vector<16xf32>
        %swap3A_637 = arith.index_cast %add3A_571 : i32 to index
        %swap3A_638 = arith.constant 96 : index
        %swap3A_639 = tpu.vector_load %arg11[%swap3A_637, %swap3A_638] {strides = array<i32>} : memref<128x128xf32, #tpu.memory_space<vmem>>, vector<1x16xf32>,
        %swap3A_640 = vector.shape_cast %swap3A_639 : vector<1x16xf32> to vector<16xf32>
        %swap3A_641 = vector.shape_cast %mul3A_636 : vector<16xf32> to vector<1x16xf32>
        tpu.vector_store %arg11[%swap3A_637, %swap3A_638], %swap3A_641 {strides = array<i32>} : memref<128x128xf32, #tpu.memory_space<vmem>>, vector<1x16xf32>,
        %get3A_642 = arith.index_cast %add3A_571 : i32 to index
        %get3A_643 = arith.constant 112 : index
        %get3A_644 = tpu.vector_load %arg11[%get3A_642, %get3A_643] {strides = array<i32>} : memref<128x128xf32, #tpu.memory_space<vmem>>, vector<1x16xf32>,
        %get3A_645 = vector.shape_cast %get3A_644 : vector<1x16xf32> to vector<16xf32>
        %mul3A_646 = arith.mulf %get3A_645, %gather3A_567 : vector<16xf32>
        %swap3A_647 = arith.index_cast %add3A_571 : i32 to index
        %swap3A_648 = arith.constant 112 : index
        %swap3A_649 = tpu.vector_load %arg11[%swap3A_647, %swap3A_648] {strides = array<i32>} : memref<128x128xf32, #tpu.memory_space<vmem>>, vector<1x16xf32>,
        %swap3A_650 = vector.shape_cast %swap3A_649 : vector<1x16xf32> to vector<16xf32>
        %swap3A_651 = vector.shape_cast %mul3A_646 : vector<16xf32> to vector<1x16xf32>
        tpu.vector_store %arg11[%swap3A_647, %swap3A_648], %swap3A_651 {strides = array<i32>} : memref<128x128xf32, #tpu.memory_space<vmem>>, vector<1x16xf32>,
        %broadcast_in_dim3A_652 = arith.constant 7 : i32
        %broadcast_in_dim3A_653 = vector.broadcast %broadcast_in_dim3A_652 : i32 to vector<16x1xi32>
        %gather3A_654 = vector.shape_cast %broadcast_in_dim3A_653 : vector<16x1xi32> to vector<16xi32>
        %gather3A_655 = tpu.dynamic_gather %get3A_38[%gather3A_654] in [0] : vector<16xf32>, vector<16xi32> -> vector<16xf32>
        %mul3A_656 = arith.constant 16 : i32
        %mul3A_657 = arith.muli %scan3A_33, %mul3A_656 : i32
        %add3A_658 = arith.constant 7 : i32
        %add3A_659 = arith.addi %mul3A_657, %add3A_658 : i32
        %get3A_660 = arith.index_cast %add3A_659 : i32 to index
        %get3A_661 = arith.constant 0 : index
        %get3A_662 = tpu.vector_load %arg11[%get3A_660, %get3A_661] {strides = array<i32>} : memref<128x128xf32, #tpu.memory_space<vmem>>, vector<1x16xf32>,
        %get3A_663 = vector.shape_cast %get3A_662 : vector<1x16xf32> to vector<16xf32>
        %mul3A_664 = arith.mulf %get3A_663, %gather3A_655 : vector<16xf32>
        %swap3A_665 = arith.index_cast %add3A_659 : i32 to index
        %swap3A_666 = arith.constant 0 : index
        %swap3A_667 = tpu.vector_load %arg11[%swap3A_665, %swap3A_666] {strides = array<i32>} : memref<128x128xf32, #tpu.memory_space<vmem>>, vector<1x16xf32>,
        %swap3A_668 = vector.shape_cast %swap3A_667 : vector<1x16xf32> to vector<16xf32>
        %swap3A_669 = vector.shape_cast %mul3A_664 : vector<16xf32> to vector<1x16xf32>
        tpu.vector_store %arg11[%swap3A_665, %swap3A_666], %swap3A_669 {strides = array<i32>} : memref<128x128xf32, #tpu.memory_space<vmem>>, vector<1x16xf32>,
        %get3A_670 = arith.index_cast %add3A_659 : i32 to index
        %get3A_671 = arith.constant 16 : index
        %get3A_672 = tpu.vector_load %arg11[%get3A_670, %get3A_671] {strides = array<i32>} : memref<128x128xf32, #tpu.memory_space<vmem>>, vector<1x16xf32>,
        %get3A_673 = vector.shape_cast %get3A_672 : vector<1x16xf32> to vector<16xf32>
        %mul3A_674 = arith.mulf %get3A_673, %gather3A_655 : vector<16xf32>
        %swap3A_675 = arith.index_cast %add3A_659 : i32 to index
        %swap3A_676 = arith.constant 16 : index
        %swap3A_677 = tpu.vector_load %arg11[%swap3A_675, %swap3A_676] {strides = array<i32>} : memref<128x128xf32, #tpu.memory_space<vmem>>, vector<1x16xf32>,
        %swap3A_678 = vector.shape_cast %swap3A_677 : vector<1x16xf32> to vector<16xf32>
        %swap3A_679 = vector.shape_cast %mul3A_674 : vector<16xf32> to vector<1x16xf32>
        tpu.vector_store %arg11[%swap3A_675, %swap3A_676], %swap3A_679 {strides = array<i32>} : memref<128x128xf32, #tpu.memory_space<vmem>>, vector<1x16xf32>,
        %get3A_680 = arith.index_cast %add3A_659 : i32 to index
        %get3A_681 = arith.constant 32 : index
        %get3A_682 = tpu.vector_load %arg11[%get3A_680, %get3A_681] {strides = array<i32>} : memref<128x128xf32, #tpu.memory_space<vmem>>, vector<1x16xf32>,
        %get3A_683 = vector.shape_cast %get3A_682 : vector<1x16xf32> to vector<16xf32>
        %mul3A_684 = arith.mulf %get3A_683, %gather3A_655 : vector<16xf32>
        %swap3A_685 = arith.index_cast %add3A_659 : i32 to index
        %swap3A_686 = arith.constant 32 : index
        %swap3A_687 = tpu.vector_load %arg11[%swap3A_685, %swap3A_686] {strides = array<i32>} : memref<128x128xf32, #tpu.memory_space<vmem>>, vector<1x16xf32>,
        %swap3A_688 = vector.shape_cast %swap3A_687 : vector<1x16xf32> to vector<16xf32>
        %swap3A_689 = vector.shape_cast %mul3A_684 : vector<16xf32> to vector<1x16xf32>
        tpu.vector_store %arg11[%swap3A_685, %swap3A_686], %swap3A_689 {strides = array<i32>} : memref<128x128xf32, #tpu.memory_space<vmem>>, vector<1x16xf32>,
        %get3A_690 = arith.index_cast %add3A_659 : i32 to index
        %get3A_691 = arith.constant 48 : index
        %get3A_692 = tpu.vector_load %arg11[%get3A_690, %get3A_691] {strides = array<i32>} : memref<128x128xf32, #tpu.memory_space<vmem>>, vector<1x16xf32>,
        %get3A_693 = vector.shape_cast %get3A_692 : vector<1x16xf32> to vector<16xf32>
        %mul3A_694 = arith.mulf %get3A_693, %gather3A_655 : vector<16xf32>
        %swap3A_695 = arith.index_cast %add3A_659 : i32 to index
        %swap3A_696 = arith.constant 48 : index
        %swap3A_697 = tpu.vector_load %arg11[%swap3A_695, %swap3A_696] {strides = array<i32>} : memref<128x128xf32, #tpu.memory_space<vmem>>, vector<1x16xf32>,
        %swap3A_698 = vector.shape_cast %swap3A_697 : vector<1x16xf32> to vector<16xf32>
        %swap3A_699 = vector.shape_cast %mul3A_694 : vector<16xf32> to vector<1x16xf32>
        tpu.vector_store %arg11[%swap3A_695, %swap3A_696], %swap3A_699 {strides = array<i32>} : memref<128x128xf32, #tpu.memory_space<vmem>>, vector<1x16xf32>,
        %get3A_700 = arith.index_cast %add3A_659 : i32 to index
        %get3A_701 = arith.constant 64 : index
        %get3A_702 = tpu.vector_load %arg11[%get3A_700, %get3A_701] {strides = array<i32>} : memref<128x128xf32, #tpu.memory_space<vmem>>, vector<1x16xf32>,
        %get3A_703 = vector.shape_cast %get3A_702 : vector<1x16xf32> to vector<16xf32>
        %mul3A_704 = arith.mulf %get3A_703, %gather3A_655 : vector<16xf32>
        %swap3A_705 = arith.index_cast %add3A_659 : i32 to index
        %swap3A_706 = arith.constant 64 : index
        %swap3A_707 = tpu.vector_load %arg11[%swap3A_705, %swap3A_706] {strides = array<i32>} : memref<128x128xf32, #tpu.memory_space<vmem>>, vector<1x16xf32>,
        %swap3A_708 = vector.shape_cast %swap3A_707 : vector<1x16xf32> to vector<16xf32>
        %swap3A_709 = vector.shape_cast %mul3A_704 : vector<16xf32> to vector<1x16xf32>
        tpu.vector_store %arg11[%swap3A_705, %swap3A_706], %swap3A_709 {strides = array<i32>} : memref<128x128xf32, #tpu.memory_space<vmem>>, vector<1x16xf32>,
        %get3A_710 = arith.index_cast %add3A_659 : i32 to index
        %get3A_711 = arith.constant 80 : index
        %get3A_712 = tpu.vector_load %arg11[%get3A_710, %get3A_711] {strides = array<i32>} : memref<128x128xf32, #tpu.memory_space<vmem>>, vector<1x16xf32>,
        %get3A_713 = vector.shape_cast %get3A_712 : vector<1x16xf32> to vector<16xf32>
        %mul3A_714 = arith.mulf %get3A_713, %gather3A_655 : vector<16xf32>
        %swap3A_715 = arith.index_cast %add3A_659 : i32 to index
        %swap3A_716 = arith.constant 80 : index
        %swap3A_717 = tpu.vector_load %arg11[%swap3A_715, %swap3A_716] {strides = array<i32>} : memref<128x128xf32, #tpu.memory_space<vmem>>, vector<1x16xf32>,
        %swap3A_718 = vector.shape_cast %swap3A_717 : vector<1x16xf32> to vector<16xf32>
        %swap3A_719 = vector.shape_cast %mul3A_714 : vector<16xf32> to vector<1x16xf32>
        tpu.vector_store %arg11[%swap3A_715, %swap3A_716], %swap3A_719 {strides = array<i32>} : memref<128x128xf32, #tpu.memory_space<vmem>>, vector<1x16xf32>,
        %get3A_720 = arith.index_cast %add3A_659 : i32 to index
        %get3A_721 = arith.constant 96 : index
        %get3A_722 = tpu.vector_load %arg11[%get3A_720, %get3A_721] {strides = array<i32>} : memref<128x128xf32, #tpu.memory_space<vmem>>, vector<1x16xf32>,
        %get3A_723 = vector.shape_cast %get3A_722 : vector<1x16xf32> to vector<16xf32>
        %mul3A_724 = arith.mulf %get3A_723, %gather3A_655 : vector<16xf32>
        %swap3A_725 = arith.index_cast %add3A_659 : i32 to index
        %swap3A_726 = arith.constant 96 : index
        %swap3A_727 = tpu.vector_load %arg11[%swap3A_725, %swap3A_726] {strides = array<i32>} : memref<128x128xf32, #tpu.memory_space<vmem>>, vector<1x16xf32>,
        %swap3A_728 = vector.shape_cast %swap3A_727 : vector<1x16xf32> to vector<16xf32>
        %swap3A_729 = vector.shape_cast %mul3A_724 : vector<16xf32> to vector<1x16xf32>
        tpu.vector_store %arg11[%swap3A_725, %swap3A_726], %swap3A_729 {strides = array<i32>} : memref<128x128xf32, #tpu.memory_space<vmem>>, vector<1x16xf32>,
        %get3A_730 = arith.index_cast %add3A_659 : i32 to index
        %get3A_731 = arith.constant 112 : index
        %get3A_732 = tpu.vector_load %arg11[%get3A_730, %get3A_731] {strides = array<i32>} : memref<128x128xf32, #tpu.memory_space<vmem>>, vector<1x16xf32>,
        %get3A_733 = vector.shape_cast %get3A_732 : vector<1x16xf32> to vector<16xf32>
        %mul3A_734 = arith.mulf %get3A_733, %gather3A_655 : vector<16xf32>
        %swap3A_735 = arith.index_cast %add3A_659 : i32 to index
        %swap3A_736 = arith.constant 112 : index
        %swap3A_737 = tpu.vector_load %arg11[%swap3A_735, %swap3A_736] {strides = array<i32>} : memref<128x128xf32, #tpu.memory_space<vmem>>, vector<1x16xf32>,
        %swap3A_738 = vector.shape_cast %swap3A_737 : vector<1x16xf32> to vector<16xf32>
        %swap3A_739 = vector.shape_cast %mul3A_734 : vector<16xf32> to vector<1x16xf32>
        tpu.vector_store %arg11[%swap3A_735, %swap3A_736], %swap3A_739 {strides = array<i32>} : memref<128x128xf32, #tpu.memory_space<vmem>>, vector<1x16xf32>,
        %broadcast_in_dim3A_740 = arith.constant 8 : i32
        %broadcast_in_dim3A_741 = vector.broadcast %broadcast_in_dim3A_740 : i32 to vector<16x1xi32>
        %gather3A_742 = vector.shape_cast %broadcast_in_dim3A_741 : vector<16x1xi32> to vector<16xi32>
        %gather3A_743 = tpu.dynamic_gather %get3A_38[%gather3A_742] in [0] : vector<16xf32>, vector<16xi32> -> vector<16xf32>
        %mul3A_744 = arith.constant 16 : i32
        %mul3A_745 = arith.muli %scan3A_33, %mul3A_744 : i32
        %add3A_746 = arith.constant 8 : i32
        %add3A_747 = arith.addi %mul3A_745, %add3A_746 : i32
        %get3A_748 = arith.index_cast %add3A_747 : i32 to index
        %get3A_749 = arith.constant 0 : index
        %get3A_750 = tpu.vector_load %arg11[%get3A_748, %get3A_749] {strides = array<i32>} : memref<128x128xf32, #tpu.memory_space<vmem>>, vector<1x16xf32>,
        %get3A_751 = vector.shape_cast %get3A_750 : vector<1x16xf32> to vector<16xf32>
        %mul3A_752 = arith.mulf %get3A_751, %gather3A_743 : vector<16xf32>
        %swap3A_753 = arith.index_cast %add3A_747 : i32 to index
        %swap3A_754 = arith.constant 0 : index
        %swap3A_755 = tpu.vector_load %arg11[%swap3A_753, %swap3A_754] {strides = array<i32>} : memref<128x128xf32, #tpu.memory_space<vmem>>, vector<1x16xf32>,
        %swap3A_756 = vector.shape_cast %swap3A_755 : vector<1x16xf32> to vector<16xf32>
        %swap3A_757 = vector.shape_cast %mul3A_752 : vector<16xf32> to vector<1x16xf32>
        tpu.vector_store %arg11[%swap3A_753, %swap3A_754], %swap3A_757 {strides = array<i32>} : memref<128x128xf32, #tpu.memory_space<vmem>>, vector<1x16xf32>,
        %get3A_758 = arith.index_cast %add3A_747 : i32 to index
        %get3A_759 = arith.constant 16 : index
        %get3A_760 = tpu.vector_load %arg11[%get3A_758, %get3A_759] {strides = array<i32>} : memref<128x128xf32, #tpu.memory_space<vmem>>, vector<1x16xf32>,
        %get3A_761 = vector.shape_cast %get3A_760 : vector<1x16xf32> to vector<16xf32>
        %mul3A_762 = arith.mulf %get3A_761, %gather3A_743 : vector<16xf32>
        %swap3A_763 = arith.index_cast %add3A_747 : i32 to index
        %swap3A_764 = arith.constant 16 : index
        %swap3A_765 = tpu.vector_load %arg11[%swap3A_763, %swap3A_764] {strides = array<i32>} : memref<128x128xf32, #tpu.memory_space<vmem>>, vector<1x16xf32>,
        %swap3A_766 = vector.shape_cast %swap3A_765 : vector<1x16xf32> to vector<16xf32>
        %swap3A_767 = vector.shape_cast %mul3A_762 : vector<16xf32> to vector<1x16xf32>
        tpu.vector_store %arg11[%swap3A_763, %swap3A_764], %swap3A_767 {strides = array<i32>} : memref<128x128xf32, #tpu.memory_space<vmem>>, vector<1x16xf32>,
        %get3A_768 = arith.index_cast %add3A_747 : i32 to index
        %get3A_769 = arith.constant 32 : index
        %get3A_770 = tpu.vector_load %arg11[%get3A_768, %get3A_769] {strides = array<i32>} : memref<128x128xf32, #tpu.memory_space<vmem>>, vector<1x16xf32>,
        %get3A_771 = vector.shape_cast %get3A_770 : vector<1x16xf32> to vector<16xf32>
        %mul3A_772 = arith.mulf %get3A_771, %gather3A_743 : vector<16xf32>
        %swap3A_773 = arith.index_cast %add3A_747 : i32 to index
        %swap3A_774 = arith.constant 32 : index
        %swap3A_775 = tpu.vector_load %arg11[%swap3A_773, %swap3A_774] {strides = array<i32>} : memref<128x128xf32, #tpu.memory_space<vmem>>, vector<1x16xf32>,
        %swap3A_776 = vector.shape_cast %swap3A_775 : vector<1x16xf32> to vector<16xf32>
        %swap3A_777 = vector.shape_cast %mul3A_772 : vector<16xf32> to vector<1x16xf32>
        tpu.vector_store %arg11[%swap3A_773, %swap3A_774], %swap3A_777 {strides = array<i32>} : memref<128x128xf32, #tpu.memory_space<vmem>>, vector<1x16xf32>,
        %get3A_778 = arith.index_cast %add3A_747 : i32 to index
        %get3A_779 = arith.constant 48 : index
        %get3A_780 = tpu.vector_load %arg11[%get3A_778, %get3A_779] {strides = array<i32>} : memref<128x128xf32, #tpu.memory_space<vmem>>, vector<1x16xf32>,
        %get3A_781 = vector.shape_cast %get3A_780 : vector<1x16xf32> to vector<16xf32>
        %mul3A_782 = arith.mulf %get3A_781, %gather3A_743 : vector<16xf32>
        %swap3A_783 = arith.index_cast %add3A_747 : i32 to index
        %swap3A_784 = arith.constant 48 : index
        %swap3A_785 = tpu.vector_load %arg11[%swap3A_783, %swap3A_784] {strides = array<i32>} : memref<128x128xf32, #tpu.memory_space<vmem>>, vector<1x16xf32>,
        %swap3A_786 = vector.shape_cast %swap3A_785 : vector<1x16xf32> to vector<16xf32>
        %swap3A_787 = vector.shape_cast %mul3A_782 : vector<16xf32> to vector<1x16xf32>
        tpu.vector_store %arg11[%swap3A_783, %swap3A_784], %swap3A_787 {strides = array<i32>} : memref<128x128xf32, #tpu.memory_space<vmem>>, vector<1x16xf32>,
        %get3A_788 = arith.index_cast %add3A_747 : i32 to index
        %get3A_789 = arith.constant 64 : index
        %get3A_790 = tpu.vector_load %arg11[%get3A_788, %get3A_789] {strides = array<i32>} : memref<128x128xf32, #tpu.memory_space<vmem>>, vector<1x16xf32>,
        %get3A_791 = vector.shape_cast %get3A_790 : vector<1x16xf32> to vector<16xf32>
        %mul3A_792 = arith.mulf %get3A_791, %gather3A_743 : vector<16xf32>
        %swap3A_793 = arith.index_cast %add3A_747 : i32 to index
        %swap3A_794 = arith.constant 64 : index
        %swap3A_795 = tpu.vector_load %arg11[%swap3A_793, %swap3A_794] {strides = array<i32>} : memref<128x128xf32, #tpu.memory_space<vmem>>, vector<1x16xf32>,
        %swap3A_796 = vector.shape_cast %swap3A_795 : vector<1x16xf32> to vector<16xf32>
        %swap3A_797 = vector.shape_cast %mul3A_792 : vector<16xf32> to vector<1x16xf32>
        tpu.vector_store %arg11[%swap3A_793, %swap3A_794], %swap3A_797 {strides = array<i32>} : memref<128x128xf32, #tpu.memory_space<vmem>>, vector<1x16xf32>,
        %get3A_798 = arith.index_cast %add3A_747 : i32 to index
        %get3A_799 = arith.constant 80 : index
        %get3A_800 = tpu.vector_load %arg11[%get3A_798, %get3A_799] {strides = array<i32>} : memref<128x128xf32, #tpu.memory_space<vmem>>, vector<1x16xf32>,
        %get3A_801 = vector.shape_cast %get3A_800 : vector<1x16xf32> to vector<16xf32>
        %mul3A_802 = arith.mulf %get3A_801, %gather3A_743 : vector<16xf32>
        %swap3A_803 = arith.index_cast %add3A_747 : i32 to index
        %swap3A_804 = arith.constant 80 : index
        %swap3A_805 = tpu.vector_load %arg11[%swap3A_803, %swap3A_804] {strides = array<i32>} : memref<128x128xf32, #tpu.memory_space<vmem>>, vector<1x16xf32>,
        %swap3A_806 = vector.shape_cast %swap3A_805 : vector<1x16xf32> to vector<16xf32>
        %swap3A_807 = vector.shape_cast %mul3A_802 : vector<16xf32> to vector<1x16xf32>
        tpu.vector_store %arg11[%swap3A_803, %swap3A_804], %swap3A_807 {strides = array<i32>} : memref<128x128xf32, #tpu.memory_space<vmem>>, vector<1x16xf32>,
        %get3A_808 = arith.index_cast %add3A_747 : i32 to index
        %get3A_809 = arith.constant 96 : index
        %get3A_810 = tpu.vector_load %arg11[%get3A_808, %get3A_809] {strides = array<i32>} : memref<128x128xf32, #tpu.memory_space<vmem>>, vector<1x16xf32>,
        %get3A_811 = vector.shape_cast %get3A_810 : vector<1x16xf32> to vector<16xf32>
        %mul3A_812 = arith.mulf %get3A_811, %gather3A_743 : vector<16xf32>
        %swap3A_813 = arith.index_cast %add3A_747 : i32 to index
        %swap3A_814 = arith.constant 96 : index
        %swap3A_815 = tpu.vector_load %arg11[%swap3A_813, %swap3A_814] {strides = array<i32>} : memref<128x128xf32, #tpu.memory_space<vmem>>, vector<1x16xf32>,
        %swap3A_816 = vector.shape_cast %swap3A_815 : vector<1x16xf32> to vector<16xf32>
        %swap3A_817 = vector.shape_cast %mul3A_812 : vector<16xf32> to vector<1x16xf32>
        tpu.vector_store %arg11[%swap3A_813, %swap3A_814], %swap3A_817 {strides = array<i32>} : memref<128x128xf32, #tpu.memory_space<vmem>>, vector<1x16xf32>,
        %get3A_818 = arith.index_cast %add3A_747 : i32 to index
        %get3A_819 = arith.constant 112 : index
        %get3A_820 = tpu.vector_load %arg11[%get3A_818, %get3A_819] {strides = array<i32>} : memref<128x128xf32, #tpu.memory_space<vmem>>, vector<1x16xf32>,
        %get3A_821 = vector.shape_cast %get3A_820 : vector<1x16xf32> to vector<16xf32>
        %mul3A_822 = arith.mulf %get3A_821, %gather3A_743 : vector<16xf32>
        %swap3A_823 = arith.index_cast %add3A_747 : i32 to index
        %swap3A_824 = arith.constant 112 : index
        %swap3A_825 = tpu.vector_load %arg11[%swap3A_823, %swap3A_824] {strides = array<i32>} : memref<128x128xf32, #tpu.memory_space<vmem>>, vector<1x16xf32>,
        %swap3A_826 = vector.shape_cast %swap3A_825 : vector<1x16xf32> to vector<16xf32>
        %swap3A_827 = vector.shape_cast %mul3A_822 : vector<16xf32> to vector<1x16xf32>
        tpu.vector_store %arg11[%swap3A_823, %swap3A_824], %swap3A_827 {strides = array<i32>} : memref<128x128xf32, #tpu.memory_space<vmem>>, vector<1x16xf32>,
        %broadcast_in_dim3A_828 = arith.constant 9 : i32
        %broadcast_in_dim3A_829 = vector.broadcast %broadcast_in_dim3A_828 : i32 to vector<16x1xi32>
        %gather3A_830 = vector.shape_cast %broadcast_in_dim3A_829 : vector<16x1xi32> to vector<16xi32>
        %gather3A_831 = tpu.dynamic_gather %get3A_38[%gather3A_830] in [0] : vector<16xf32>, vector<16xi32> -> vector<16xf32>
        %mul3A_832 = arith.constant 16 : i32
        %mul3A_833 = arith.muli %scan3A_33, %mul3A_832 : i32
        %add3A_834 = arith.constant 9 : i32
        %add3A_835 = arith.addi %mul3A_833, %add3A_834 : i32
        %get3A_836 = arith.index_cast %add3A_835 : i32 to index
        %get3A_837 = arith.constant 0 : index
        %get3A_838 = tpu.vector_load %arg11[%get3A_836, %get3A_837] {strides = array<i32>} : memref<128x128xf32, #tpu.memory_space<vmem>>, vector<1x16xf32>,
        %get3A_839 = vector.shape_cast %get3A_838 : vector<1x16xf32> to vector<16xf32>
        %mul3A_840 = arith.mulf %get3A_839, %gather3A_831 : vector<16xf32>
        %swap3A_841 = arith.index_cast %add3A_835 : i32 to index
        %swap3A_842 = arith.constant 0 : index
        %swap3A_843 = tpu.vector_load %arg11[%swap3A_841, %swap3A_842] {strides = array<i32>} : memref<128x128xf32, #tpu.memory_space<vmem>>, vector<1x16xf32>,
        %swap3A_844 = vector.shape_cast %swap3A_843 : vector<1x16xf32> to vector<16xf32>
        %swap3A_845 = vector.shape_cast %mul3A_840 : vector<16xf32> to vector<1x16xf32>
        tpu.vector_store %arg11[%swap3A_841, %swap3A_842], %swap3A_845 {strides = array<i32>} : memref<128x128xf32, #tpu.memory_space<vmem>>, vector<1x16xf32>,
        %get3A_846 = arith.index_cast %add3A_835 : i32 to index
        %get3A_847 = arith.constant 16 : index
        %get3A_848 = tpu.vector_load %arg11[%get3A_846, %get3A_847] {strides = array<i32>} : memref<128x128xf32, #tpu.memory_space<vmem>>, vector<1x16xf32>,
        %get3A_849 = vector.shape_cast %get3A_848 : vector<1x16xf32> to vector<16xf32>
        %mul3A_850 = arith.mulf %get3A_849, %gather3A_831 : vector<16xf32>
        %swap3A_851 = arith.index_cast %add3A_835 : i32 to index
        %swap3A_852 = arith.constant 16 : index
        %swap3A_853 = tpu.vector_load %arg11[%swap3A_851, %swap3A_852] {strides = array<i32>} : memref<128x128xf32, #tpu.memory_space<vmem>>, vector<1x16xf32>,
        %swap3A_854 = vector.shape_cast %swap3A_853 : vector<1x16xf32> to vector<16xf32>
        %swap3A_855 = vector.shape_cast %mul3A_850 : vector<16xf32> to vector<1x16xf32>
        tpu.vector_store %arg11[%swap3A_851, %swap3A_852], %swap3A_855 {strides = array<i32>} : memref<128x128xf32, #tpu.memory_space<vmem>>, vector<1x16xf32>,
        %get3A_856 = arith.index_cast %add3A_835 : i32 to index
        %get3A_857 = arith.constant 32 : index
        %get3A_858 = tpu.vector_load %arg11[%get3A_856, %get3A_857] {strides = array<i32>} : memref<128x128xf32, #tpu.memory_space<vmem>>, vector<1x16xf32>,
        %get3A_859 = vector.shape_cast %get3A_858 : vector<1x16xf32> to vector<16xf32>
        %mul3A_860 = arith.mulf %get3A_859, %gather3A_831 : vector<16xf32>
        %swap3A_861 = arith.index_cast %add3A_835 : i32 to index
        %swap3A_862 = arith.constant 32 : index
        %swap3A_863 = tpu.vector_load %arg11[%swap3A_861, %swap3A_862] {strides = array<i32>} : memref<128x128xf32, #tpu.memory_space<vmem>>, vector<1x16xf32>,
        %swap3A_864 = vector.shape_cast %swap3A_863 : vector<1x16xf32> to vector<16xf32>
        %swap3A_865 = vector.shape_cast %mul3A_860 : vector<16xf32> to vector<1x16xf32>
        tpu.vector_store %arg11[%swap3A_861, %swap3A_862], %swap3A_865 {strides = array<i32>} : memref<128x128xf32, #tpu.memory_space<vmem>>, vector<1x16xf32>,
        %get3A_866 = arith.index_cast %add3A_835 : i32 to index
        %get3A_867 = arith.constant 48 : index
        %get3A_868 = tpu.vector_load %arg11[%get3A_866, %get3A_867] {strides = array<i32>} : memref<128x128xf32, #tpu.memory_space<vmem>>, vector<1x16xf32>,
        %get3A_869 = vector.shape_cast %get3A_868 : vector<1x16xf32> to vector<16xf32>
        %mul3A_870 = arith.mulf %get3A_869, %gather3A_831 : vector<16xf32>
        %swap3A_871 = arith.index_cast %add3A_835 : i32 to index
        %swap3A_872 = arith.constant 48 : index
        %swap3A_873 = tpu.vector_load %arg11[%swap3A_871, %swap3A_872] {strides = array<i32>} : memref<128x128xf32, #tpu.memory_space<vmem>>, vector<1x16xf32>,
        %swap3A_874 = vector.shape_cast %swap3A_873 : vector<1x16xf32> to vector<16xf32>
        %swap3A_875 = vector.shape_cast %mul3A_870 : vector<16xf32> to vector<1x16xf32>
        tpu.vector_store %arg11[%swap3A_871, %swap3A_872], %swap3A_875 {strides = array<i32>} : memref<128x128xf32, #tpu.memory_space<vmem>>, vector<1x16xf32>,
        %get3A_876 = arith.index_cast %add3A_835 : i32 to index
        %get3A_877 = arith.constant 64 : index
        %get3A_878 = tpu.vector_load %arg11[%get3A_876, %get3A_877] {strides = array<i32>} : memref<128x128xf32, #tpu.memory_space<vmem>>, vector<1x16xf32>,
        %get3A_879 = vector.shape_cast %get3A_878 : vector<1x16xf32> to vector<16xf32>
        %mul3A_880 = arith.mulf %get3A_879, %gather3A_831 : vector<16xf32>
        %swap3A_881 = arith.index_cast %add3A_835 : i32 to index
        %swap3A_882 = arith.constant 64 : index
        %swap3A_883 = tpu.vector_load %arg11[%swap3A_881, %swap3A_882] {strides = array<i32>} : memref<128x128xf32, #tpu.memory_space<vmem>>, vector<1x16xf32>,
        %swap3A_884 = vector.shape_cast %swap3A_883 : vector<1x16xf32> to vector<16xf32>
        %swap3A_885 = vector.shape_cast %mul3A_880 : vector<16xf32> to vector<1x16xf32>
        tpu.vector_store %arg11[%swap3A_881, %swap3A_882], %swap3A_885 {strides = array<i32>} : memref<128x128xf32, #tpu.memory_space<vmem>>, vector<1x16xf32>,
        %get3A_886 = arith.index_cast %add3A_835 : i32 to index
        %get3A_887 = arith.constant 80 : index
        %get3A_888 = tpu.vector_load %arg11[%get3A_886, %get3A_887] {strides = array<i32>} : memref<128x128xf32, #tpu.memory_space<vmem>>, vector<1x16xf32>,
        %get3A_889 = vector.shape_cast %get3A_888 : vector<1x16xf32> to vector<16xf32>
        %mul3A_890 = arith.mulf %get3A_889, %gather3A_831 : vector<16xf32>
        %swap3A_891 = arith.index_cast %add3A_835 : i32 to index
        %swap3A_892 = arith.constant 80 : index
        %swap3A_893 = tpu.vector_load %arg11[%swap3A_891, %swap3A_892] {strides = array<i32>} : memref<128x128xf32, #tpu.memory_space<vmem>>, vector<1x16xf32>,
        %swap3A_894 = vector.shape_cast %swap3A_893 : vector<1x16xf32> to vector<16xf32>
        %swap3A_895 = vector.shape_cast %mul3A_890 : vector<16xf32> to vector<1x16xf32>
        tpu.vector_store %arg11[%swap3A_891, %swap3A_892], %swap3A_895 {strides = array<i32>} : memref<128x128xf32, #tpu.memory_space<vmem>>, vector<1x16xf32>,
        %get3A_896 = arith.index_cast %add3A_835 : i32 to index
        %get3A_897 = arith.constant 96 : index
        %get3A_898 = tpu.vector_load %arg11[%get3A_896, %get3A_897] {strides = array<i32>} : memref<128x128xf32, #tpu.memory_space<vmem>>, vector<1x16xf32>,
        %get3A_899 = vector.shape_cast %get3A_898 : vector<1x16xf32> to vector<16xf32>
        %mul3A_900 = arith.mulf %get3A_899, %gather3A_831 : vector<16xf32>
        %swap3A_901 = arith.index_cast %add3A_835 : i32 to index
        %swap3A_902 = arith.constant 96 : index
        %swap3A_903 = tpu.vector_load %arg11[%swap3A_901, %swap3A_902] {strides = array<i32>} : memref<128x128xf32, #tpu.memory_space<vmem>>, vector<1x16xf32>,
        %swap3A_904 = vector.shape_cast %swap3A_903 : vector<1x16xf32> to vector<16xf32>
        %swap3A_905 = vector.shape_cast %mul3A_900 : vector<16xf32> to vector<1x16xf32>
        tpu.vector_store %arg11[%swap3A_901, %swap3A_902], %swap3A_905 {strides = array<i32>} : memref<128x128xf32, #tpu.memory_space<vmem>>, vector<1x16xf32>,
        %get3A_906 = arith.index_cast %add3A_835 : i32 to index
        %get3A_907 = arith.constant 112 : index
        %get3A_908 = tpu.vector_load %arg11[%get3A_906, %get3A_907] {strides = array<i32>} : memref<128x128xf32, #tpu.memory_space<vmem>>, vector<1x16xf32>,
        %get3A_909 = vector.shape_cast %get3A_908 : vector<1x16xf32> to vector<16xf32>
        %mul3A_910 = arith.mulf %get3A_909, %gather3A_831 : vector<16xf32>
        %swap3A_911 = arith.index_cast %add3A_835 : i32 to index
        %swap3A_912 = arith.constant 112 : index
        %swap3A_913 = tpu.vector_load %arg11[%swap3A_911, %swap3A_912] {strides = array<i32>} : memref<128x128xf32, #tpu.memory_space<vmem>>, vector<1x16xf32>,
        %swap3A_914 = vector.shape_cast %swap3A_913 : vector<1x16xf32> to vector<16xf32>
        %swap3A_915 = vector.shape_cast %mul3A_910 : vector<16xf32> to vector<1x16xf32>
        tpu.vector_store %arg11[%swap3A_911, %swap3A_912], %swap3A_915 {strides = array<i32>} : memref<128x128xf32, #tpu.memory_space<vmem>>, vector<1x16xf32>,
        %broadcast_in_dim3A_916 = arith.constant 10 : i32
        %broadcast_in_dim3A_917 = vector.broadcast %broadcast_in_dim3A_916 : i32 to vector<16x1xi32>
        %gather3A_918 = vector.shape_cast %broadcast_in_dim3A_917 : vector<16x1xi32> to vector<16xi32>
        %gather3A_919 = tpu.dynamic_gather %get3A_38[%gather3A_918] in [0] : vector<16xf32>, vector<16xi32> -> vector<16xf32>
        %mul3A_920 = arith.constant 16 : i32
        %mul3A_921 = arith.muli %scan3A_33, %mul3A_920 : i32
        %add3A_922 = arith.constant 10 : i32
        %add3A_923 = arith.addi %mul3A_921, %add3A_922 : i32
        %get3A_924 = arith.index_cast %add3A_923 : i32 to index
        %get3A_925 = arith.constant 0 : index
        %get3A_926 = tpu.vector_load %arg11[%get3A_924, %get3A_925] {strides = array<i32>} : memref<128x128xf32, #tpu.memory_space<vmem>>, vector<1x16xf32>,
        %get3A_927 = vector.shape_cast %get3A_926 : vector<1x16xf32> to vector<16xf32>
        %mul3A_928 = arith.mulf %get3A_927, %gather3A_919 : vector<16xf32>
        %swap3A_929 = arith.index_cast %add3A_923 : i32 to index
        %swap3A_930 = arith.constant 0 : index
        %swap3A_931 = tpu.vector_load %arg11[%swap3A_929, %swap3A_930] {strides = array<i32>} : memref<128x128xf32, #tpu.memory_space<vmem>>, vector<1x16xf32>,
        %swap3A_932 = vector.shape_cast %swap3A_931 : vector<1x16xf32> to vector<16xf32>
        %swap3A_933 = vector.shape_cast %mul3A_928 : vector<16xf32> to vector<1x16xf32>
        tpu.vector_store %arg11[%swap3A_929, %swap3A_930], %swap3A_933 {strides = array<i32>} : memref<128x128xf32, #tpu.memory_space<vmem>>, vector<1x16xf32>,
        %get3A_934 = arith.index_cast %add3A_923 : i32 to index
        %get3A_935 = arith.constant 16 : index
        %get3A_936 = tpu.vector_load %arg11[%get3A_934, %get3A_935] {strides = array<i32>} : memref<128x128xf32, #tpu.memory_space<vmem>>, vector<1x16xf32>,
        %get3A_937 = vector.shape_cast %get3A_936 : vector<1x16xf32> to vector<16xf32>
        %mul3A_938 = arith.mulf %get3A_937, %gather3A_919 : vector<16xf32>
        %swap3A_939 = arith.index_cast %add3A_923 : i32 to index
        %swap3A_940 = arith.constant 16 : index
        %swap3A_941 = tpu.vector_load %arg11[%swap3A_939, %swap3A_940] {strides = array<i32>} : memref<128x128xf32, #tpu.memory_space<vmem>>, vector<1x16xf32>,
        %swap3A_942 = vector.shape_cast %swap3A_941 : vector<1x16xf32> to vector<16xf32>
        %swap3A_943 = vector.shape_cast %mul3A_938 : vector<16xf32> to vector<1x16xf32>
        tpu.vector_store %arg11[%swap3A_939, %swap3A_940], %swap3A_943 {strides = array<i32>} : memref<128x128xf32, #tpu.memory_space<vmem>>, vector<1x16xf32>,
        %get3A_944 = arith.index_cast %add3A_923 : i32 to index
        %get3A_945 = arith.constant 32 : index
        %get3A_946 = tpu.vector_load %arg11[%get3A_944, %get3A_945] {strides = array<i32>} : memref<128x128xf32, #tpu.memory_space<vmem>>, vector<1x16xf32>,
        %get3A_947 = vector.shape_cast %get3A_946 : vector<1x16xf32> to vector<16xf32>
        %mul3A_948 = arith.mulf %get3A_947, %gather3A_919 : vector<16xf32>
        %swap3A_949 = arith.index_cast %add3A_923 : i32 to index
        %swap3A_950 = arith.constant 32 : index
        %swap3A_951 = tpu.vector_load %arg11[%swap3A_949, %swap3A_950] {strides = array<i32>} : memref<128x128xf32, #tpu.memory_space<vmem>>, vector<1x16xf32>,
        %swap3A_952 = vector.shape_cast %swap3A_951 : vector<1x16xf32> to vector<16xf32>
        %swap3A_953 = vector.shape_cast %mul3A_948 : vector<16xf32> to vector<1x16xf32>
        tpu.vector_store %arg11[%swap3A_949, %swap3A_950], %swap3A_953 {strides = array<i32>} : memref<128x128xf32, #tpu.memory_space<vmem>>, vector<1x16xf32>,
        %get3A_954 = arith.index_cast %add3A_923 : i32 to index
        %get3A_955 = arith.constant 48 : index
        %get3A_956 = tpu.vector_load %arg11[%get3A_954, %get3A_955] {strides = array<i32>} : memref<128x128xf32, #tpu.memory_space<vmem>>, vector<1x16xf32>,
        %get3A_957 = vector.shape_cast %get3A_956 : vector<1x16xf32> to vector<16xf32>
        %mul3A_958 = arith.mulf %get3A_957, %gather3A_919 : vector<16xf32>
        %swap3A_959 = arith.index_cast %add3A_923 : i32 to index
        %swap3A_960 = arith.constant 48 : index
        %swap3A_961 = tpu.vector_load %arg11[%swap3A_959, %swap3A_960] {strides = array<i32>} : memref<128x128xf32, #tpu.memory_space<vmem>>, vector<1x16xf32>,
        %swap3A_962 = vector.shape_cast %swap3A_961 : vector<1x16xf32> to vector<16xf32>
        %swap3A_963 = vector.shape_cast %mul3A_958 : vector<16xf32> to vector<1x16xf32>
        tpu.vector_store %arg11[%swap3A_959, %swap3A_960], %swap3A_963 {strides = array<i32>} : memref<128x128xf32, #tpu.memory_space<vmem>>, vector<1x16xf32>,
        %get3A_964 = arith.index_cast %add3A_923 : i32 to index
        %get3A_965 = arith.constant 64 : index
        %get3A_966 = tpu.vector_load %arg11[%get3A_964, %get3A_965] {strides = array<i32>} : memref<128x128xf32, #tpu.memory_space<vmem>>, vector<1x16xf32>,
        %get3A_967 = vector.shape_cast %get3A_966 : vector<1x16xf32> to vector<16xf32>
        %mul3A_968 = arith.mulf %get3A_967, %gather3A_919 : vector<16xf32>
        %swap3A_969 = arith.index_cast %add3A_923 : i32 to index
        %swap3A_970 = arith.constant 64 : index
        %swap3A_971 = tpu.vector_load %arg11[%swap3A_969, %swap3A_970] {strides = array<i32>} : memref<128x128xf32, #tpu.memory_space<vmem>>, vector<1x16xf32>,
        %swap3A_972 = vector.shape_cast %swap3A_971 : vector<1x16xf32> to vector<16xf32>
        %swap3A_973 = vector.shape_cast %mul3A_968 : vector<16xf32> to vector<1x16xf32>
        tpu.vector_store %arg11[%swap3A_969, %swap3A_970], %swap3A_973 {strides = array<i32>} : memref<128x128xf32, #tpu.memory_space<vmem>>, vector<1x16xf32>,
        %get3A_974 = arith.index_cast %add3A_923 : i32 to index
        %get3A_975 = arith.constant 80 : index
        %get3A_976 = tpu.vector_load %arg11[%get3A_974, %get3A_975] {strides = array<i32>} : memref<128x128xf32, #tpu.memory_space<vmem>>, vector<1x16xf32>,
        %get3A_977 = vector.shape_cast %get3A_976 : vector<1x16xf32> to vector<16xf32>
        %mul3A_978 = arith.mulf %get3A_977, %gather3A_919 : vector<16xf32>
        %swap3A_979 = arith.index_cast %add3A_923 : i32 to index
        %swap3A_980 = arith.constant 80 : index
        %swap3A_981 = tpu.vector_load %arg11[%swap3A_979, %swap3A_980] {strides = array<i32>} : memref<128x128xf32, #tpu.memory_space<vmem>>, vector<1x16xf32>,
        %swap3A_982 = vector.shape_cast %swap3A_981 : vector<1x16xf32> to vector<16xf32>
        %swap3A_983 = vector.shape_cast %mul3A_978 : vector<16xf32> to vector<1x16xf32>
        tpu.vector_store %arg11[%swap3A_979, %swap3A_980], %swap3A_983 {strides = array<i32>} : memref<128x128xf32, #tpu.memory_space<vmem>>, vector<1x16xf32>,
        %get3A_984 = arith.index_cast %add3A_923 : i32 to index
        %get3A_985 = arith.constant 96 : index
        %get3A_986 = tpu.vector_load %arg11[%get3A_984, %get3A_985] {strides = array<i32>} : memref<128x128xf32, #tpu.memory_space<vmem>>, vector<1x16xf32>,
        %get3A_987 = vector.shape_cast %get3A_986 : vector<1x16xf32> to vector<16xf32>
        %mul3A_988 = arith.mulf %get3A_987, %gather3A_919 : vector<16xf32>
        %swap3A_989 = arith.index_cast %add3A_923 : i32 to index
        %swap3A_990 = arith.constant 96 : index
        %swap3A_991 = tpu.vector_load %arg11[%swap3A_989, %swap3A_990] {strides = array<i32>} : memref<128x128xf32, #tpu.memory_space<vmem>>, vector<1x16xf32>,
        %swap3A_992 = vector.shape_cast %swap3A_991 : vector<1x16xf32> to vector<16xf32>
        %swap3A_993 = vector.shape_cast %mul3A_988 : vector<16xf32> to vector<1x16xf32>
        tpu.vector_store %arg11[%swap3A_989, %swap3A_990], %swap3A_993 {strides = array<i32>} : memref<128x128xf32, #tpu.memory_space<vmem>>, vector<1x16xf32>,
        %get3A_994 = arith.index_cast %add3A_923 : i32 to index
        %get3A_995 = arith.constant 112 : index
        %get3A_996 = tpu.vector_load %arg11[%get3A_994, %get3A_995] {strides = array<i32>} : memref<128x128xf32, #tpu.memory_space<vmem>>, vector<1x16xf32>,
        %get3A_997 = vector.shape_cast %get3A_996 : vector<1x16xf32> to vector<16xf32>
        %mul3A_998 = arith.mulf %get3A_997, %gather3A_919 : vector<16xf32>
        %swap3A_999 = arith.index_cast %add3A_923 : i32 to index
        %swap3A_1000 = arith.constant 112 : index
        %swap3A_1001 = tpu.vector_load %arg11[%swap3A_999, %swap3A_1000] {strides = array<i32>} : memref<128x128xf32, #tpu.memory_space<vmem>>, vector<1x16xf32>,
        %swap3A_1002 = vector.shape_cast %swap3A_1001 : vector<1x16xf32> to vector<16xf32>
        %swap3A_1003 = vector.shape_cast %mul3A_998 : vector<16xf32> to vector<1x16xf32>
        tpu.vector_store %arg11[%swap3A_999, %swap3A_1000], %swap3A_1003 {strides = array<i32>} : memref<128x128xf32, #tpu.memory_space<vmem>>, vector<1x16xf32>,
        %broadcast_in_dim3A_1004 = arith.constant 11 : i32
        %broadcast_in_dim3A_1005 = vector.broadcast %broadcast_in_dim3A_1004 : i32 to vector<16x1xi32>
        %gather3A_1006 = vector.shape_cast %broadcast_in_dim3A_1005 : vector<16x1xi32> to vector<16xi32>
        %gather3A_1007 = tpu.dynamic_gather %get3A_38[%gather3A_1006] in [0] : vector<16xf32>, vector<16xi32> -> vector<16xf32>
        %mul3A_1008 = arith.constant 16 : i32
        %mul3A_1009 = arith.muli %scan3A_33, %mul3A_1008 : i32
        %add3A_1010 = arith.constant 11 : i32
        %add3A_1011 = arith.addi %mul3A_1009, %add3A_1010 : i32
        %get3A_1012 = arith.index_cast %add3A_1011 : i32 to index
        %get3A_1013 = arith.constant 0 : index
        %get3A_1014 = tpu.vector_load %arg11[%get3A_1012, %get3A_1013] {strides = array<i32>} : memref<128x128xf32, #tpu.memory_space<vmem>>, vector<1x16xf32>,
        %get3A_1015 = vector.shape_cast %get3A_1014 : vector<1x16xf32> to vector<16xf32>
        %mul3A_1016 = arith.mulf %get3A_1015, %gather3A_1007 : vector<16xf32>
        %swap3A_1017 = arith.index_cast %add3A_1011 : i32 to index
        %swap3A_1018 = arith.constant 0 : index
        %swap3A_1019 = tpu.vector_load %arg11[%swap3A_1017, %swap3A_1018] {strides = array<i32>} : memref<128x128xf32, #tpu.memory_space<vmem>>, vector<1x16xf32>,
        %swap3A_1020 = vector.shape_cast %swap3A_1019 : vector<1x16xf32> to vector<16xf32>
        %swap3A_1021 = vector.shape_cast %mul3A_1016 : vector<16xf32> to vector<1x16xf32>
        tpu.vector_store %arg11[%swap3A_1017, %swap3A_1018], %swap3A_1021 {strides = array<i32>} : memref<128x128xf32, #tpu.memory_space<vmem>>, vector<1x16xf32>,
        %get3A_1022 = arith.index_cast %add3A_1011 : i32 to index
        %get3A_1023 = arith.constant 16 : index
        %get3A_1024 = tpu.vector_load %arg11[%get3A_1022, %get3A_1023] {strides = array<i32>} : memref<128x128xf32, #tpu.memory_space<vmem>>, vector<1x16xf32>,
        %get3A_1025 = vector.shape_cast %get3A_1024 : vector<1x16xf32> to vector<16xf32>
        %mul3A_1026 = arith.mulf %get3A_1025, %gather3A_1007 : vector<16xf32>
        %swap3A_1027 = arith.index_cast %add3A_1011 : i32 to index
        %swap3A_1028 = arith.constant 16 : index
        %swap3A_1029 = tpu.vector_load %arg11[%swap3A_1027, %swap3A_1028] {strides = array<i32>} : memref<128x128xf32, #tpu.memory_space<vmem>>, vector<1x16xf32>,
        %swap3A_1030 = vector.shape_cast %swap3A_1029 : vector<1x16xf32> to vector<16xf32>
        %swap3A_1031 = vector.shape_cast %mul3A_1026 : vector<16xf32> to vector<1x16xf32>
        tpu.vector_store %arg11[%swap3A_1027, %swap3A_1028], %swap3A_1031 {strides = array<i32>} : memref<128x128xf32, #tpu.memory_space<vmem>>, vector<1x16xf32>,
        %get3A_1032 = arith.index_cast %add3A_1011 : i32 to index
        %get3A_1033 = arith.constant 32 : index
        %get3A_1034 = tpu.vector_load %arg11[%get3A_1032, %get3A_1033] {strides = array<i32>} : memref<128x128xf32, #tpu.memory_space<vmem>>, vector<1x16xf32>,
        %get3A_1035 = vector.shape_cast %get3A_1034 : vector<1x16xf32> to vector<16xf32>
        %mul3A_1036 = arith.mulf %get3A_1035, %gather3A_1007 : vector<16xf32>
        %swap3A_1037 = arith.index_cast %add3A_1011 : i32 to index
        %swap3A_1038 = arith.constant 32 : index
        %swap3A_1039 = tpu.vector_load %arg11[%swap3A_1037, %swap3A_1038] {strides = array<i32>} : memref<128x128xf32, #tpu.memory_space<vmem>>, vector<1x16xf32>,
        %swap3A_1040 = vector.shape_cast %swap3A_1039 : vector<1x16xf32> to vector<16xf32>
        %swap3A_1041 = vector.shape_cast %mul3A_1036 : vector<16xf32> to vector<1x16xf32>
        tpu.vector_store %arg11[%swap3A_1037, %swap3A_1038], %swap3A_1041 {strides = array<i32>} : memref<128x128xf32, #tpu.memory_space<vmem>>, vector<1x16xf32>,
        %get3A_1042 = arith.index_cast %add3A_1011 : i32 to index
        %get3A_1043 = arith.constant 48 : index
        %get3A_1044 = tpu.vector_load %arg11[%get3A_1042, %get3A_1043] {strides = array<i32>} : memref<128x128xf32, #tpu.memory_space<vmem>>, vector<1x16xf32>,
        %get3A_1045 = vector.shape_cast %get3A_1044 : vector<1x16xf32> to vector<16xf32>
        %mul3A_1046 = arith.mulf %get3A_1045, %gather3A_1007 : vector<16xf32>
        %swap3A_1047 = arith.index_cast %add3A_1011 : i32 to index
        %swap3A_1048 = arith.constant 48 : index
        %swap3A_1049 = tpu.vector_load %arg11[%swap3A_1047, %swap3A_1048] {strides = array<i32>} : memref<128x128xf32, #tpu.memory_space<vmem>>, vector<1x16xf32>,
        %swap3A_1050 = vector.shape_cast %swap3A_1049 : vector<1x16xf32> to vector<16xf32>
        %swap3A_1051 = vector.shape_cast %mul3A_1046 : vector<16xf32> to vector<1x16xf32>
        tpu.vector_store %arg11[%swap3A_1047, %swap3A_1048], %swap3A_1051 {strides = array<i32>} : memref<128x128xf32, #tpu.memory_space<vmem>>, vector<1x16xf32>,
        %get3A_1052 = arith.index_cast %add3A_1011 : i32 to index
        %get3A_1053 = arith.constant 64 : index
        %get3A_1054 = tpu.vector_load %arg11[%get3A_1052, %get3A_1053] {strides = array<i32>} : memref<128x128xf32, #tpu.memory_space<vmem>>, vector<1x16xf32>,
        %get3A_1055 = vector.shape_cast %get3A_1054 : vector<1x16xf32> to vector<16xf32>
        %mul3A_1056 = arith.mulf %get3A_1055, %gather3A_1007 : vector<16xf32>
        %swap3A_1057 = arith.index_cast %add3A_1011 : i32 to index
        %swap3A_1058 = arith.constant 64 : index
        %swap3A_1059 = tpu.vector_load %arg11[%swap3A_1057, %swap3A_1058] {strides = array<i32>} : memref<128x128xf32, #tpu.memory_space<vmem>>, vector<1x16xf32>,
        %swap3A_1060 = vector.shape_cast %swap3A_1059 : vector<1x16xf32> to vector<16xf32>
        %swap3A_1061 = vector.shape_cast %mul3A_1056 : vector<16xf32> to vector<1x16xf32>
        tpu.vector_store %arg11[%swap3A_1057, %swap3A_1058], %swap3A_1061 {strides = array<i32>} : memref<128x128xf32, #tpu.memory_space<vmem>>, vector<1x16xf32>,
        %get3A_1062 = arith.index_cast %add3A_1011 : i32 to index
        %get3A_1063 = arith.constant 80 : index
        %get3A_1064 = tpu.vector_load %arg11[%get3A_1062, %get3A_1063] {strides = array<i32>} : memref<128x128xf32, #tpu.memory_space<vmem>>, vector<1x16xf32>,
        %get3A_1065 = vector.shape_cast %get3A_1064 : vector<1x16xf32> to vector<16xf32>
        %mul3A_1066 = arith.mulf %get3A_1065, %gather3A_1007 : vector<16xf32>
        %swap3A_1067 = arith.index_cast %add3A_1011 : i32 to index
        %swap3A_1068 = arith.constant 80 : index
        %swap3A_1069 = tpu.vector_load %arg11[%swap3A_1067, %swap3A_1068] {strides = array<i32>} : memref<128x128xf32, #tpu.memory_space<vmem>>, vector<1x16xf32>,
        %swap3A_1070 = vector.shape_cast %swap3A_1069 : vector<1x16xf32> to vector<16xf32>
        %swap3A_1071 = vector.shape_cast %mul3A_1066 : vector<16xf32> to vector<1x16xf32>
        tpu.vector_store %arg11[%swap3A_1067, %swap3A_1068], %swap3A_1071 {strides = array<i32>} : memref<128x128xf32, #tpu.memory_space<vmem>>, vector<1x16xf32>,
        %get3A_1072 = arith.index_cast %add3A_1011 : i32 to index
        %get3A_1073 = arith.constant 96 : index
        %get3A_1074 = tpu.vector_load %arg11[%get3A_1072, %get3A_1073] {strides = array<i32>} : memref<128x128xf32, #tpu.memory_space<vmem>>, vector<1x16xf32>,
        %get3A_1075 = vector.shape_cast %get3A_1074 : vector<1x16xf32> to vector<16xf32>
        %mul3A_1076 = arith.mulf %get3A_1075, %gather3A_1007 : vector<16xf32>
        %swap3A_1077 = arith.index_cast %add3A_1011 : i32 to index
        %swap3A_1078 = arith.constant 96 : index
        %swap3A_1079 = tpu.vector_load %arg11[%swap3A_1077, %swap3A_1078] {strides = array<i32>} : memref<128x128xf32, #tpu.memory_space<vmem>>, vector<1x16xf32>,
        %swap3A_1080 = vector.shape_cast %swap3A_1079 : vector<1x16xf32> to vector<16xf32>
        %swap3A_1081 = vector.shape_cast %mul3A_1076 : vector<16xf32> to vector<1x16xf32>
        tpu.vector_store %arg11[%swap3A_1077, %swap3A_1078], %swap3A_1081 {strides = array<i32>} : memref<128x128xf32, #tpu.memory_space<vmem>>, vector<1x16xf32>,
        %get3A_1082 = arith.index_cast %add3A_1011 : i32 to index
        %get3A_1083 = arith.constant 112 : index
        %get3A_1084 = tpu.vector_load %arg11[%get3A_1082, %get3A_1083] {strides = array<i32>} : memref<128x128xf32, #tpu.memory_space<vmem>>, vector<1x16xf32>,
        %get3A_1085 = vector.shape_cast %get3A_1084 : vector<1x16xf32> to vector<16xf32>
        %mul3A_1086 = arith.mulf %get3A_1085, %gather3A_1007 : vector<16xf32>
        %swap3A_1087 = arith.index_cast %add3A_1011 : i32 to index
        %swap3A_1088 = arith.constant 112 : index
        %swap3A_1089 = tpu.vector_load %arg11[%swap3A_1087, %swap3A_1088] {strides = array<i32>} : memref<128x128xf32, #tpu.memory_space<vmem>>, vector<1x16xf32>,
        %swap3A_1090 = vector.shape_cast %swap3A_1089 : vector<1x16xf32> to vector<16xf32>
        %swap3A_1091 = vector.shape_cast %mul3A_1086 : vector<16xf32> to vector<1x16xf32>
        tpu.vector_store %arg11[%swap3A_1087, %swap3A_1088], %swap3A_1091 {strides = array<i32>} : memref<128x128xf32, #tpu.memory_space<vmem>>, vector<1x16xf32>,
        %broadcast_in_dim3A_1092 = arith.constant 12 : i32
        %broadcast_in_dim3A_1093 = vector.broadcast %broadcast_in_dim3A_1092 : i32 to vector<16x1xi32>
        %gather3A_1094 = vector.shape_cast %broadcast_in_dim3A_1093 : vector<16x1xi32> to vector<16xi32>
        %gather3A_1095 = tpu.dynamic_gather %get3A_38[%gather3A_1094] in [0] : vector<16xf32>, vector<16xi32> -> vector<16xf32>
        %mul3A_1096 = arith.constant 16 : i32
        %mul3A_1097 = arith.muli %scan3A_33, %mul3A_1096 : i32
        %add3A_1098 = arith.constant 12 : i32
        %add3A_1099 = arith.addi %mul3A_1097, %add3A_1098 : i32
        %get3A_1100 = arith.index_cast %add3A_1099 : i32 to index
        %get3A_1101 = arith.constant 0 : index
        %get3A_1102 = tpu.vector_load %arg11[%get3A_1100, %get3A_1101] {strides = array<i32>} : memref<128x128xf32, #tpu.memory_space<vmem>>, vector<1x16xf32>,
        %get3A_1103 = vector.shape_cast %get3A_1102 : vector<1x16xf32> to vector<16xf32>
        %mul3A_1104 = arith.mulf %get3A_1103, %gather3A_1095 : vector<16xf32>
        %swap3A_1105 = arith.index_cast %add3A_1099 : i32 to index
        %swap3A_1106 = arith.constant 0 : index
        %swap3A_1107 = tpu.vector_load %arg11[%swap3A_1105, %swap3A_1106] {strides = array<i32>} : memref<128x128xf32, #tpu.memory_space<vmem>>, vector<1x16xf32>,
        %swap3A_1108 = vector.shape_cast %swap3A_1107 : vector<1x16xf32> to vector<16xf32>
        %swap3A_1109 = vector.shape_cast %mul3A_1104 : vector<16xf32> to vector<1x16xf32>
        tpu.vector_store %arg11[%swap3A_1105, %swap3A_1106], %swap3A_1109 {strides = array<i32>} : memref<128x128xf32, #tpu.memory_space<vmem>>, vector<1x16xf32>,
        %get3A_1110 = arith.index_cast %add3A_1099 : i32 to index
        %get3A_1111 = arith.constant 16 : index
        %get3A_1112 = tpu.vector_load %arg11[%get3A_1110, %get3A_1111] {strides = array<i32>} : memref<128x128xf32, #tpu.memory_space<vmem>>, vector<1x16xf32>,
        %get3A_1113 = vector.shape_cast %get3A_1112 : vector<1x16xf32> to vector<16xf32>
        %mul3A_1114 = arith.mulf %get3A_1113, %gather3A_1095 : vector<16xf32>
        %swap3A_1115 = arith.index_cast %add3A_1099 : i32 to index
        %swap3A_1116 = arith.constant 16 : index
        %swap3A_1117 = tpu.vector_load %arg11[%swap3A_1115, %swap3A_1116] {strides = array<i32>} : memref<128x128xf32, #tpu.memory_space<vmem>>, vector<1x16xf32>,
        %swap3A_1118 = vector.shape_cast %swap3A_1117 : vector<1x16xf32> to vector<16xf32>
        %swap3A_1119 = vector.shape_cast %mul3A_1114 : vector<16xf32> to vector<1x16xf32>
        tpu.vector_store %arg11[%swap3A_1115, %swap3A_1116], %swap3A_1119 {strides = array<i32>} : memref<128x128xf32, #tpu.memory_space<vmem>>, vector<1x16xf32>,
        %get3A_1120 = arith.index_cast %add3A_1099 : i32 to index
        %get3A_1121 = arith.constant 32 : index
        %get3A_1122 = tpu.vector_load %arg11[%get3A_1120, %get3A_1121] {strides = array<i32>} : memref<128x128xf32, #tpu.memory_space<vmem>>, vector<1x16xf32>,
        %get3A_1123 = vector.shape_cast %get3A_1122 : vector<1x16xf32> to vector<16xf32>
        %mul3A_1124 = arith.mulf %get3A_1123, %gather3A_1095 : vector<16xf32>
        %swap3A_1125 = arith.index_cast %add3A_1099 : i32 to index
        %swap3A_1126 = arith.constant 32 : index
        %swap3A_1127 = tpu.vector_load %arg11[%swap3A_1125, %swap3A_1126] {strides = array<i32>} : memref<128x128xf32, #tpu.memory_space<vmem>>, vector<1x16xf32>,
        %swap3A_1128 = vector.shape_cast %swap3A_1127 : vector<1x16xf32> to vector<16xf32>
        %swap3A_1129 = vector.shape_cast %mul3A_1124 : vector<16xf32> to vector<1x16xf32>
        tpu.vector_store %arg11[%swap3A_1125, %swap3A_1126], %swap3A_1129 {strides = array<i32>} : memref<128x128xf32, #tpu.memory_space<vmem>>, vector<1x16xf32>,
        %get3A_1130 = arith.index_cast %add3A_1099 : i32 to index
        %get3A_1131 = arith.constant 48 : index
        %get3A_1132 = tpu.vector_load %arg11[%get3A_1130, %get3A_1131] {strides = array<i32>} : memref<128x128xf32, #tpu.memory_space<vmem>>, vector<1x16xf32>,
        %get3A_1133 = vector.shape_cast %get3A_1132 : vector<1x16xf32> to vector<16xf32>
        %mul3A_1134 = arith.mulf %get3A_1133, %gather3A_1095 : vector<16xf32>
        %swap3A_1135 = arith.index_cast %add3A_1099 : i32 to index
        %swap3A_1136 = arith.constant 48 : index
        %swap3A_1137 = tpu.vector_load %arg11[%swap3A_1135, %swap3A_1136] {strides = array<i32>} : memref<128x128xf32, #tpu.memory_space<vmem>>, vector<1x16xf32>,
        %swap3A_1138 = vector.shape_cast %swap3A_1137 : vector<1x16xf32> to vector<16xf32>
        %swap3A_1139 = vector.shape_cast %mul3A_1134 : vector<16xf32> to vector<1x16xf32>
        tpu.vector_store %arg11[%swap3A_1135, %swap3A_1136], %swap3A_1139 {strides = array<i32>} : memref<128x128xf32, #tpu.memory_space<vmem>>, vector<1x16xf32>,
        %get3A_1140 = arith.index_cast %add3A_1099 : i32 to index
        %get3A_1141 = arith.constant 64 : index
        %get3A_1142 = tpu.vector_load %arg11[%get3A_1140, %get3A_1141] {strides = array<i32>} : memref<128x128xf32, #tpu.memory_space<vmem>>, vector<1x16xf32>,
        %get3A_1143 = vector.shape_cast %get3A_1142 : vector<1x16xf32> to vector<16xf32>
        %mul3A_1144 = arith.mulf %get3A_1143, %gather3A_1095 : vector<16xf32>
        %swap3A_1145 = arith.index_cast %add3A_1099 : i32 to index
        %swap3A_1146 = arith.constant 64 : index
        %swap3A_1147 = tpu.vector_load %arg11[%swap3A_1145, %swap3A_1146] {strides = array<i32>} : memref<128x128xf32, #tpu.memory_space<vmem>>, vector<1x16xf32>,
        %swap3A_1148 = vector.shape_cast %swap3A_1147 : vector<1x16xf32> to vector<16xf32>
        %swap3A_1149 = vector.shape_cast %mul3A_1144 : vector<16xf32> to vector<1x16xf32>
        tpu.vector_store %arg11[%swap3A_1145, %swap3A_1146], %swap3A_1149 {strides = array<i32>} : memref<128x128xf32, #tpu.memory_space<vmem>>, vector<1x16xf32>,
        %get3A_1150 = arith.index_cast %add3A_1099 : i32 to index
        %get3A_1151 = arith.constant 80 : index
        %get3A_1152 = tpu.vector_load %arg11[%get3A_1150, %get3A_1151] {strides = array<i32>} : memref<128x128xf32, #tpu.memory_space<vmem>>, vector<1x16xf32>,
        %get3A_1153 = vector.shape_cast %get3A_1152 : vector<1x16xf32> to vector<16xf32>
        %mul3A_1154 = arith.mulf %get3A_1153, %gather3A_1095 : vector<16xf32>
        %swap3A_1155 = arith.index_cast %add3A_1099 : i32 to index
        %swap3A_1156 = arith.constant 80 : index
        %swap3A_1157 = tpu.vector_load %arg11[%swap3A_1155, %swap3A_1156] {strides = array<i32>} : memref<128x128xf32, #tpu.memory_space<vmem>>, vector<1x16xf32>,
        %swap3A_1158 = vector.shape_cast %swap3A_1157 : vector<1x16xf32> to vector<16xf32>
        %swap3A_1159 = vector.shape_cast %mul3A_1154 : vector<16xf32> to vector<1x16xf32>
        tpu.vector_store %arg11[%swap3A_1155, %swap3A_1156], %swap3A_1159 {strides = array<i32>} : memref<128x128xf32, #tpu.memory_space<vmem>>, vector<1x16xf32>,
        %get3A_1160 = arith.index_cast %add3A_1099 : i32 to index
        %get3A_1161 = arith.constant 96 : index
        %get3A_1162 = tpu.vector_load %arg11[%get3A_1160, %get3A_1161] {strides = array<i32>} : memref<128x128xf32, #tpu.memory_space<vmem>>, vector<1x16xf32>,
        %get3A_1163 = vector.shape_cast %get3A_1162 : vector<1x16xf32> to vector<16xf32>
        %mul3A_1164 = arith.mulf %get3A_1163, %gather3A_1095 : vector<16xf32>
        %swap3A_1165 = arith.index_cast %add3A_1099 : i32 to index
        %swap3A_1166 = arith.constant 96 : index
        %swap3A_1167 = tpu.vector_load %arg11[%swap3A_1165, %swap3A_1166] {strides = array<i32>} : memref<128x128xf32, #tpu.memory_space<vmem>>, vector<1x16xf32>,
        %swap3A_1168 = vector.shape_cast %swap3A_1167 : vector<1x16xf32> to vector<16xf32>
        %swap3A_1169 = vector.shape_cast %mul3A_1164 : vector<16xf32> to vector<1x16xf32>
        tpu.vector_store %arg11[%swap3A_1165, %swap3A_1166], %swap3A_1169 {strides = array<i32>} : memref<128x128xf32, #tpu.memory_space<vmem>>, vector<1x16xf32>,
        %get3A_1170 = arith.index_cast %add3A_1099 : i32 to index
        %get3A_1171 = arith.constant 112 : index
        %get3A_1172 = tpu.vector_load %arg11[%get3A_1170, %get3A_1171] {strides = array<i32>} : memref<128x128xf32, #tpu.memory_space<vmem>>, vector<1x16xf32>,
        %get3A_1173 = vector.shape_cast %get3A_1172 : vector<1x16xf32> to vector<16xf32>
        %mul3A_1174 = arith.mulf %get3A_1173, %gather3A_1095 : vector<16xf32>
        %swap3A_1175 = arith.index_cast %add3A_1099 : i32 to index
        %swap3A_1176 = arith.constant 112 : index
        %swap3A_1177 = tpu.vector_load %arg11[%swap3A_1175, %swap3A_1176] {strides = array<i32>} : memref<128x128xf32, #tpu.memory_space<vmem>>, vector<1x16xf32>,
        %swap3A_1178 = vector.shape_cast %swap3A_1177 : vector<1x16xf32> to vector<16xf32>
        %swap3A_1179 = vector.shape_cast %mul3A_1174 : vector<16xf32> to vector<1x16xf32>
        tpu.vector_store %arg11[%swap3A_1175, %swap3A_1176], %swap3A_1179 {strides = array<i32>} : memref<128x128xf32, #tpu.memory_space<vmem>>, vector<1x16xf32>,
        %broadcast_in_dim3A_1180 = arith.constant 13 : i32
        %broadcast_in_dim3A_1181 = vector.broadcast %broadcast_in_dim3A_1180 : i32 to vector<16x1xi32>
        %gather3A_1182 = vector.shape_cast %broadcast_in_dim3A_1181 : vector<16x1xi32> to vector<16xi32>
        %gather3A_1183 = tpu.dynamic_gather %get3A_38[%gather3A_1182] in [0] : vector<16xf32>, vector<16xi32> -> vector<16xf32>
        %mul3A_1184 = arith.constant 16 : i32
        %mul3A_1185 = arith.muli %scan3A_33, %mul3A_1184 : i32
        %add3A_1186 = arith.constant 13 : i32
        %add3A_1187 = arith.addi %mul3A_1185, %add3A_1186 : i32
        %get3A_1188 = arith.index_cast %add3A_1187 : i32 to index
        %get3A_1189 = arith.constant 0 : index
        %get3A_1190 = tpu.vector_load %arg11[%get3A_1188, %get3A_1189] {strides = array<i32>} : memref<128x128xf32, #tpu.memory_space<vmem>>, vector<1x16xf32>,
        %get3A_1191 = vector.shape_cast %get3A_1190 : vector<1x16xf32> to vector<16xf32>
        %mul3A_1192 = arith.mulf %get3A_1191, %gather3A_1183 : vector<16xf32>
        %swap3A_1193 = arith.index_cast %add3A_1187 : i32 to index
        %swap3A_1194 = arith.constant 0 : index
        %swap3A_1195 = tpu.vector_load %arg11[%swap3A_1193, %swap3A_1194] {strides = array<i32>} : memref<128x128xf32, #tpu.memory_space<vmem>>, vector<1x16xf32>,
        %swap3A_1196 = vector.shape_cast %swap3A_1195 : vector<1x16xf32> to vector<16xf32>
        %swap3A_1197 = vector.shape_cast %mul3A_1192 : vector<16xf32> to vector<1x16xf32>
        tpu.vector_store %arg11[%swap3A_1193, %swap3A_1194], %swap3A_1197 {strides = array<i32>} : memref<128x128xf32, #tpu.memory_space<vmem>>, vector<1x16xf32>,
        %get3A_1198 = arith.index_cast %add3A_1187 : i32 to index
        %get3A_1199 = arith.constant 16 : index
        %get3A_1200 = tpu.vector_load %arg11[%get3A_1198, %get3A_1199] {strides = array<i32>} : memref<128x128xf32, #tpu.memory_space<vmem>>, vector<1x16xf32>,
        %get3A_1201 = vector.shape_cast %get3A_1200 : vector<1x16xf32> to vector<16xf32>
        %mul3A_1202 = arith.mulf %get3A_1201, %gather3A_1183 : vector<16xf32>
        %swap3A_1203 = arith.index_cast %add3A_1187 : i32 to index
        %swap3A_1204 = arith.constant 16 : index
        %swap3A_1205 = tpu.vector_load %arg11[%swap3A_1203, %swap3A_1204] {strides = array<i32>} : memref<128x128xf32, #tpu.memory_space<vmem>>, vector<1x16xf32>,
        %swap3A_1206 = vector.shape_cast %swap3A_1205 : vector<1x16xf32> to vector<16xf32>
        %swap3A_1207 = vector.shape_cast %mul3A_1202 : vector<16xf32> to vector<1x16xf32>
        tpu.vector_store %arg11[%swap3A_1203, %swap3A_1204], %swap3A_1207 {strides = array<i32>} : memref<128x128xf32, #tpu.memory_space<vmem>>, vector<1x16xf32>,
        %get3A_1208 = arith.index_cast %add3A_1187 : i32 to index
        %get3A_1209 = arith.constant 32 : index
        %get3A_1210 = tpu.vector_load %arg11[%get3A_1208, %get3A_1209] {strides = array<i32>} : memref<128x128xf32, #tpu.memory_space<vmem>>, vector<1x16xf32>,
        %get3A_1211 = vector.shape_cast %get3A_1210 : vector<1x16xf32> to vector<16xf32>
        %mul3A_1212 = arith.mulf %get3A_1211, %gather3A_1183 : vector<16xf32>
        %swap3A_1213 = arith.index_cast %add3A_1187 : i32 to index
        %swap3A_1214 = arith.constant 32 : index
        %swap3A_1215 = tpu.vector_load %arg11[%swap3A_1213, %swap3A_1214] {strides = array<i32>} : memref<128x128xf32, #tpu.memory_space<vmem>>, vector<1x16xf32>,
        %swap3A_1216 = vector.shape_cast %swap3A_1215 : vector<1x16xf32> to vector<16xf32>
        %swap3A_1217 = vector.shape_cast %mul3A_1212 : vector<16xf32> to vector<1x16xf32>
        tpu.vector_store %arg11[%swap3A_1213, %swap3A_1214], %swap3A_1217 {strides = array<i32>} : memref<128x128xf32, #tpu.memory_space<vmem>>, vector<1x16xf32>,
        %get3A_1218 = arith.index_cast %add3A_1187 : i32 to index
        %get3A_1219 = arith.constant 48 : index
        %get3A_1220 = tpu.vector_load %arg11[%get3A_1218, %get3A_1219] {strides = array<i32>} : memref<128x128xf32, #tpu.memory_space<vmem>>, vector<1x16xf32>,
        %get3A_1221 = vector.shape_cast %get3A_1220 : vector<1x16xf32> to vector<16xf32>
        %mul3A_1222 = arith.mulf %get3A_1221, %gather3A_1183 : vector<16xf32>
        %swap3A_1223 = arith.index_cast %add3A_1187 : i32 to index
        %swap3A_1224 = arith.constant 48 : index
        %swap3A_1225 = tpu.vector_load %arg11[%swap3A_1223, %swap3A_1224] {strides = array<i32>} : memref<128x128xf32, #tpu.memory_space<vmem>>, vector<1x16xf32>,
        %swap3A_1226 = vector.shape_cast %swap3A_1225 : vector<1x16xf32> to vector<16xf32>
        %swap3A_1227 = vector.shape_cast %mul3A_1222 : vector<16xf32> to vector<1x16xf32>
        tpu.vector_store %arg11[%swap3A_1223, %swap3A_1224], %swap3A_1227 {strides = array<i32>} : memref<128x128xf32, #tpu.memory_space<vmem>>, vector<1x16xf32>,
        %get3A_1228 = arith.index_cast %add3A_1187 : i32 to index
        %get3A_1229 = arith.constant 64 : index
        %get3A_1230 = tpu.vector_load %arg11[%get3A_1228, %get3A_1229] {strides = array<i32>} : memref<128x128xf32, #tpu.memory_space<vmem>>, vector<1x16xf32>,
        %get3A_1231 = vector.shape_cast %get3A_1230 : vector<1x16xf32> to vector<16xf32>
        %mul3A_1232 = arith.mulf %get3A_1231, %gather3A_1183 : vector<16xf32>
        %swap3A_1233 = arith.index_cast %add3A_1187 : i32 to index
        %swap3A_1234 = arith.constant 64 : index
        %swap3A_1235 = tpu.vector_load %arg11[%swap3A_1233, %swap3A_1234] {strides = array<i32>} : memref<128x128xf32, #tpu.memory_space<vmem>>, vector<1x16xf32>,
        %swap3A_1236 = vector.shape_cast %swap3A_1235 : vector<1x16xf32> to vector<16xf32>
        %swap3A_1237 = vector.shape_cast %mul3A_1232 : vector<16xf32> to vector<1x16xf32>
        tpu.vector_store %arg11[%swap3A_1233, %swap3A_1234], %swap3A_1237 {strides = array<i32>} : memref<128x128xf32, #tpu.memory_space<vmem>>, vector<1x16xf32>,
        %get3A_1238 = arith.index_cast %add3A_1187 : i32 to index
        %get3A_1239 = arith.constant 80 : index
        %get3A_1240 = tpu.vector_load %arg11[%get3A_1238, %get3A_1239] {strides = array<i32>} : memref<128x128xf32, #tpu.memory_space<vmem>>, vector<1x16xf32>,
        %get3A_1241 = vector.shape_cast %get3A_1240 : vector<1x16xf32> to vector<16xf32>
        %mul3A_1242 = arith.mulf %get3A_1241, %gather3A_1183 : vector<16xf32>
        %swap3A_1243 = arith.index_cast %add3A_1187 : i32 to index
        %swap3A_1244 = arith.constant 80 : index
        %swap3A_1245 = tpu.vector_load %arg11[%swap3A_1243, %swap3A_1244] {strides = array<i32>} : memref<128x128xf32, #tpu.memory_space<vmem>>, vector<1x16xf32>,
        %swap3A_1246 = vector.shape_cast %swap3A_1245 : vector<1x16xf32> to vector<16xf32>
        %swap3A_1247 = vector.shape_cast %mul3A_1242 : vector<16xf32> to vector<1x16xf32>
        tpu.vector_store %arg11[%swap3A_1243, %swap3A_1244], %swap3A_1247 {strides = array<i32>} : memref<128x128xf32, #tpu.memory_space<vmem>>, vector<1x16xf32>,
        %get3A_1248 = arith.index_cast %add3A_1187 : i32 to index
        %get3A_1249 = arith.constant 96 : index
        %get3A_1250 = tpu.vector_load %arg11[%get3A_1248, %get3A_1249] {strides = array<i32>} : memref<128x128xf32, #tpu.memory_space<vmem>>, vector<1x16xf32>,
        %get3A_1251 = vector.shape_cast %get3A_1250 : vector<1x16xf32> to vector<16xf32>
        %mul3A_1252 = arith.mulf %get3A_1251, %gather3A_1183 : vector<16xf32>
        %swap3A_1253 = arith.index_cast %add3A_1187 : i32 to index
        %swap3A_1254 = arith.constant 96 : index
        %swap3A_1255 = tpu.vector_load %arg11[%swap3A_1253, %swap3A_1254] {strides = array<i32>} : memref<128x128xf32, #tpu.memory_space<vmem>>, vector<1x16xf32>,
        %swap3A_1256 = vector.shape_cast %swap3A_1255 : vector<1x16xf32> to vector<16xf32>
        %swap3A_1257 = vector.shape_cast %mul3A_1252 : vector<16xf32> to vector<1x16xf32>
        tpu.vector_store %arg11[%swap3A_1253, %swap3A_1254], %swap3A_1257 {strides = array<i32>} : memref<128x128xf32, #tpu.memory_space<vmem>>, vector<1x16xf32>,
        %get3A_1258 = arith.index_cast %add3A_1187 : i32 to index
        %get3A_1259 = arith.constant 112 : index
        %get3A_1260 = tpu.vector_load %arg11[%get3A_1258, %get3A_1259] {strides = array<i32>} : memref<128x128xf32, #tpu.memory_space<vmem>>, vector<1x16xf32>,
        %get3A_1261 = vector.shape_cast %get3A_1260 : vector<1x16xf32> to vector<16xf32>
        %mul3A_1262 = arith.mulf %get3A_1261, %gather3A_1183 : vector<16xf32>
        %swap3A_1263 = arith.index_cast %add3A_1187 : i32 to index
        %swap3A_1264 = arith.constant 112 : index
        %swap3A_1265 = tpu.vector_load %arg11[%swap3A_1263, %swap3A_1264] {strides = array<i32>} : memref<128x128xf32, #tpu.memory_space<vmem>>, vector<1x16xf32>,
        %swap3A_1266 = vector.shape_cast %swap3A_1265 : vector<1x16xf32> to vector<16xf32>
        %swap3A_1267 = vector.shape_cast %mul3A_1262 : vector<16xf32> to vector<1x16xf32>
        tpu.vector_store %arg11[%swap3A_1263, %swap3A_1264], %swap3A_1267 {strides = array<i32>} : memref<128x128xf32, #tpu.memory_space<vmem>>, vector<1x16xf32>,
        %broadcast_in_dim3A_1268 = arith.constant 14 : i32
        %broadcast_in_dim3A_1269 = vector.broadcast %broadcast_in_dim3A_1268 : i32 to vector<16x1xi32>
        %gather3A_1270 = vector.shape_cast %broadcast_in_dim3A_1269 : vector<16x1xi32> to vector<16xi32>
        %gather3A_1271 = tpu.dynamic_gather %get3A_38[%gather3A_1270] in [0] : vector<16xf32>, vector<16xi32> -> vector<16xf32>
        %mul3A_1272 = arith.constant 16 : i32
        %mul3A_1273 = arith.muli %scan3A_33, %mul3A_1272 : i32
        %add3A_1274 = arith.constant 14 : i32
        %add3A_1275 = arith.addi %mul3A_1273, %add3A_1274 : i32
        %get3A_1276 = arith.index_cast %add3A_1275 : i32 to index
        %get3A_1277 = arith.constant 0 : index
        %get3A_1278 = tpu.vector_load %arg11[%get3A_1276, %get3A_1277] {strides = array<i32>} : memref<128x128xf32, #tpu.memory_space<vmem>>, vector<1x16xf32>,
        %get3A_1279 = vector.shape_cast %get3A_1278 : vector<1x16xf32> to vector<16xf32>
        %mul3A_1280 = arith.mulf %get3A_1279, %gather3A_1271 : vector<16xf32>
        %swap3A_1281 = arith.index_cast %add3A_1275 : i32 to index
        %swap3A_1282 = arith.constant 0 : index
        %swap3A_1283 = tpu.vector_load %arg11[%swap3A_1281, %swap3A_1282] {strides = array<i32>} : memref<128x128xf32, #tpu.memory_space<vmem>>, vector<1x16xf32>,
        %swap3A_1284 = vector.shape_cast %swap3A_1283 : vector<1x16xf32> to vector<16xf32>
        %swap3A_1285 = vector.shape_cast %mul3A_1280 : vector<16xf32> to vector<1x16xf32>
        tpu.vector_store %arg11[%swap3A_1281, %swap3A_1282], %swap3A_1285 {strides = array<i32>} : memref<128x128xf32, #tpu.memory_space<vmem>>, vector<1x16xf32>,
        %get3A_1286 = arith.index_cast %add3A_1275 : i32 to index
        %get3A_1287 = arith.constant 16 : index
        %get3A_1288 = tpu.vector_load %arg11[%get3A_1286, %get3A_1287] {strides = array<i32>} : memref<128x128xf32, #tpu.memory_space<vmem>>, vector<1x16xf32>,
        %get3A_1289 = vector.shape_cast %get3A_1288 : vector<1x16xf32> to vector<16xf32>
        %mul3A_1290 = arith.mulf %get3A_1289, %gather3A_1271 : vector<16xf32>
        %swap3A_1291 = arith.index_cast %add3A_1275 : i32 to index
        %swap3A_1292 = arith.constant 16 : index
        %swap3A_1293 = tpu.vector_load %arg11[%swap3A_1291, %swap3A_1292] {strides = array<i32>} : memref<128x128xf32, #tpu.memory_space<vmem>>, vector<1x16xf32>,
        %swap3A_1294 = vector.shape_cast %swap3A_1293 : vector<1x16xf32> to vector<16xf32>
        %swap3A_1295 = vector.shape_cast %mul3A_1290 : vector<16xf32> to vector<1x16xf32>
        tpu.vector_store %arg11[%swap3A_1291, %swap3A_1292], %swap3A_1295 {strides = array<i32>} : memref<128x128xf32, #tpu.memory_space<vmem>>, vector<1x16xf32>,
        %get3A_1296 = arith.index_cast %add3A_1275 : i32 to index
        %get3A_1297 = arith.constant 32 : index
        %get3A_1298 = tpu.vector_load %arg11[%get3A_1296, %get3A_1297] {strides = array<i32>} : memref<128x128xf32, #tpu.memory_space<vmem>>, vector<1x16xf32>,
        %get3A_1299 = vector.shape_cast %get3A_1298 : vector<1x16xf32> to vector<16xf32>
        %mul3A_1300 = arith.mulf %get3A_1299, %gather3A_1271 : vector<16xf32>
        %swap3A_1301 = arith.index_cast %add3A_1275 : i32 to index
        %swap3A_1302 = arith.constant 32 : index
        %swap3A_1303 = tpu.vector_load %arg11[%swap3A_1301, %swap3A_1302] {strides = array<i32>} : memref<128x128xf32, #tpu.memory_space<vmem>>, vector<1x16xf32>,
        %swap3A_1304 = vector.shape_cast %swap3A_1303 : vector<1x16xf32> to vector<16xf32>
        %swap3A_1305 = vector.shape_cast %mul3A_1300 : vector<16xf32> to vector<1x16xf32>
        tpu.vector_store %arg11[%swap3A_1301, %swap3A_1302], %swap3A_1305 {strides = array<i32>} : memref<128x128xf32, #tpu.memory_space<vmem>>, vector<1x16xf32>,
        %get3A_1306 = arith.index_cast %add3A_1275 : i32 to index
        %get3A_1307 = arith.constant 48 : index
        %get3A_1308 = tpu.vector_load %arg11[%get3A_1306, %get3A_1307] {strides = array<i32>} : memref<128x128xf32, #tpu.memory_space<vmem>>, vector<1x16xf32>,
        %get3A_1309 = vector.shape_cast %get3A_1308 : vector<1x16xf32> to vector<16xf32>
        %mul3A_1310 = arith.mulf %get3A_1309, %gather3A_1271 : vector<16xf32>
        %swap3A_1311 = arith.index_cast %add3A_1275 : i32 to index
        %swap3A_1312 = arith.constant 48 : index
        %swap3A_1313 = tpu.vector_load %arg11[%swap3A_1311, %swap3A_1312] {strides = array<i32>} : memref<128x128xf32, #tpu.memory_space<vmem>>, vector<1x16xf32>,
        %swap3A_1314 = vector.shape_cast %swap3A_1313 : vector<1x16xf32> to vector<16xf32>
        %swap3A_1315 = vector.shape_cast %mul3A_1310 : vector<16xf32> to vector<1x16xf32>
        tpu.vector_store %arg11[%swap3A_1311, %swap3A_1312], %swap3A_1315 {strides = array<i32>} : memref<128x128xf32, #tpu.memory_space<vmem>>, vector<1x16xf32>,
        %get3A_1316 = arith.index_cast %add3A_1275 : i32 to index
        %get3A_1317 = arith.constant 64 : index
        %get3A_1318 = tpu.vector_load %arg11[%get3A_1316, %get3A_1317] {strides = array<i32>} : memref<128x128xf32, #tpu.memory_space<vmem>>, vector<1x16xf32>,
        %get3A_1319 = vector.shape_cast %get3A_1318 : vector<1x16xf32> to vector<16xf32>
        %mul3A_1320 = arith.mulf %get3A_1319, %gather3A_1271 : vector<16xf32>
        %swap3A_1321 = arith.index_cast %add3A_1275 : i32 to index
        %swap3A_1322 = arith.constant 64 : index
        %swap3A_1323 = tpu.vector_load %arg11[%swap3A_1321, %swap3A_1322] {strides = array<i32>} : memref<128x128xf32, #tpu.memory_space<vmem>>, vector<1x16xf32>,
        %swap3A_1324 = vector.shape_cast %swap3A_1323 : vector<1x16xf32> to vector<16xf32>
        %swap3A_1325 = vector.shape_cast %mul3A_1320 : vector<16xf32> to vector<1x16xf32>
        tpu.vector_store %arg11[%swap3A_1321, %swap3A_1322], %swap3A_1325 {strides = array<i32>} : memref<128x128xf32, #tpu.memory_space<vmem>>, vector<1x16xf32>,
        %get3A_1326 = arith.index_cast %add3A_1275 : i32 to index
        %get3A_1327 = arith.constant 80 : index
        %get3A_1328 = tpu.vector_load %arg11[%get3A_1326, %get3A_1327] {strides = array<i32>} : memref<128x128xf32, #tpu.memory_space<vmem>>, vector<1x16xf32>,
        %get3A_1329 = vector.shape_cast %get3A_1328 : vector<1x16xf32> to vector<16xf32>
        %mul3A_1330 = arith.mulf %get3A_1329, %gather3A_1271 : vector<16xf32>
        %swap3A_1331 = arith.index_cast %add3A_1275 : i32 to index
        %swap3A_1332 = arith.constant 80 : index
        %swap3A_1333 = tpu.vector_load %arg11[%swap3A_1331, %swap3A_1332] {strides = array<i32>} : memref<128x128xf32, #tpu.memory_space<vmem>>, vector<1x16xf32>,
        %swap3A_1334 = vector.shape_cast %swap3A_1333 : vector<1x16xf32> to vector<16xf32>
        %swap3A_1335 = vector.shape_cast %mul3A_1330 : vector<16xf32> to vector<1x16xf32>
        tpu.vector_store %arg11[%swap3A_1331, %swap3A_1332], %swap3A_1335 {strides = array<i32>} : memref<128x128xf32, #tpu.memory_space<vmem>>, vector<1x16xf32>,
        %get3A_1336 = arith.index_cast %add3A_1275 : i32 to index
        %get3A_1337 = arith.constant 96 : index
        %get3A_1338 = tpu.vector_load %arg11[%get3A_1336, %get3A_1337] {strides = array<i32>} : memref<128x128xf32, #tpu.memory_space<vmem>>, vector<1x16xf32>,
        %get3A_1339 = vector.shape_cast %get3A_1338 : vector<1x16xf32> to vector<16xf32>
        %mul3A_1340 = arith.mulf %get3A_1339, %gather3A_1271 : vector<16xf32>
        %swap3A_1341 = arith.index_cast %add3A_1275 : i32 to index
        %swap3A_1342 = arith.constant 96 : index
        %swap3A_1343 = tpu.vector_load %arg11[%swap3A_1341, %swap3A_1342] {strides = array<i32>} : memref<128x128xf32, #tpu.memory_space<vmem>>, vector<1x16xf32>,
        %swap3A_1344 = vector.shape_cast %swap3A_1343 : vector<1x16xf32> to vector<16xf32>
        %swap3A_1345 = vector.shape_cast %mul3A_1340 : vector<16xf32> to vector<1x16xf32>
        tpu.vector_store %arg11[%swap3A_1341, %swap3A_1342], %swap3A_1345 {strides = array<i32>} : memref<128x128xf32, #tpu.memory_space<vmem>>, vector<1x16xf32>,
        %get3A_1346 = arith.index_cast %add3A_1275 : i32 to index
        %get3A_1347 = arith.constant 112 : index
        %get3A_1348 = tpu.vector_load %arg11[%get3A_1346, %get3A_1347] {strides = array<i32>} : memref<128x128xf32, #tpu.memory_space<vmem>>, vector<1x16xf32>,
        %get3A_1349 = vector.shape_cast %get3A_1348 : vector<1x16xf32> to vector<16xf32>
        %mul3A_1350 = arith.mulf %get3A_1349, %gather3A_1271 : vector<16xf32>
        %swap3A_1351 = arith.index_cast %add3A_1275 : i32 to index
        %swap3A_1352 = arith.constant 112 : index
        %swap3A_1353 = tpu.vector_load %arg11[%swap3A_1351, %swap3A_1352] {strides = array<i32>} : memref<128x128xf32, #tpu.memory_space<vmem>>, vector<1x16xf32>,
        %swap3A_1354 = vector.shape_cast %swap3A_1353 : vector<1x16xf32> to vector<16xf32>
        %swap3A_1355 = vector.shape_cast %mul3A_1350 : vector<16xf32> to vector<1x16xf32>
        tpu.vector_store %arg11[%swap3A_1351, %swap3A_1352], %swap3A_1355 {strides = array<i32>} : memref<128x128xf32, #tpu.memory_space<vmem>>, vector<1x16xf32>,
        %broadcast_in_dim3A_1356 = arith.constant 15 : i32
        %broadcast_in_dim3A_1357 = vector.broadcast %broadcast_in_dim3A_1356 : i32 to vector<16x1xi32>
        %gather3A_1358 = vector.shape_cast %broadcast_in_dim3A_1357 : vector<16x1xi32> to vector<16xi32>
        %gather3A_1359 = tpu.dynamic_gather %get3A_38[%gather3A_1358] in [0] : vector<16xf32>, vector<16xi32> -> vector<16xf32>
        %mul3A_1360 = arith.constant 16 : i32
        %mul3A_1361 = arith.muli %scan3A_33, %mul3A_1360 : i32
        %add3A_1362 = arith.constant 15 : i32
        %add3A_1363 = arith.addi %mul3A_1361, %add3A_1362 : i32
        %get3A_1364 = arith.index_cast %add3A_1363 : i32 to index
        %get3A_1365 = arith.constant 0 : index
        %get3A_1366 = tpu.vector_load %arg11[%get3A_1364, %get3A_1365] {strides = array<i32>} : memref<128x128xf32, #tpu.memory_space<vmem>>, vector<1x16xf32>,
        %get3A_1367 = vector.shape_cast %get3A_1366 : vector<1x16xf32> to vector<16xf32>
        %mul3A_1368 = arith.mulf %get3A_1367, %gather3A_1359 : vector<16xf32>
        %swap3A_1369 = arith.index_cast %add3A_1363 : i32 to index
        %swap3A_1370 = arith.constant 0 : index
        %swap3A_1371 = tpu.vector_load %arg11[%swap3A_1369, %swap3A_1370] {strides = array<i32>} : memref<128x128xf32, #tpu.memory_space<vmem>>, vector<1x16xf32>,
        %swap3A_1372 = vector.shape_cast %swap3A_1371 : vector<1x16xf32> to vector<16xf32>
        %swap3A_1373 = vector.shape_cast %mul3A_1368 : vector<16xf32> to vector<1x16xf32>
        tpu.vector_store %arg11[%swap3A_1369, %swap3A_1370], %swap3A_1373 {strides = array<i32>} : memref<128x128xf32, #tpu.memory_space<vmem>>, vector<1x16xf32>,
        %get3A_1374 = arith.index_cast %add3A_1363 : i32 to index
        %get3A_1375 = arith.constant 16 : index
        %get3A_1376 = tpu.vector_load %arg11[%get3A_1374, %get3A_1375] {strides = array<i32>} : memref<128x128xf32, #tpu.memory_space<vmem>>, vector<1x16xf32>,
        %get3A_1377 = vector.shape_cast %get3A_1376 : vector<1x16xf32> to vector<16xf32>
        %mul3A_1378 = arith.mulf %get3A_1377, %gather3A_1359 : vector<16xf32>
        %swap3A_1379 = arith.index_cast %add3A_1363 : i32 to index
        %swap3A_1380 = arith.constant 16 : index
        %swap3A_1381 = tpu.vector_load %arg11[%swap3A_1379, %swap3A_1380] {strides = array<i32>} : memref<128x128xf32, #tpu.memory_space<vmem>>, vector<1x16xf32>,
        %swap3A_1382 = vector.shape_cast %swap3A_1381 : vector<1x16xf32> to vector<16xf32>
        %swap3A_1383 = vector.shape_cast %mul3A_1378 : vector<16xf32> to vector<1x16xf32>
        tpu.vector_store %arg11[%swap3A_1379, %swap3A_1380], %swap3A_1383 {strides = array<i32>} : memref<128x128xf32, #tpu.memory_space<vmem>>, vector<1x16xf32>,
        %get3A_1384 = arith.index_cast %add3A_1363 : i32 to index
        %get3A_1385 = arith.constant 32 : index
        %get3A_1386 = tpu.vector_load %arg11[%get3A_1384, %get3A_1385] {strides = array<i32>} : memref<128x128xf32, #tpu.memory_space<vmem>>, vector<1x16xf32>,
        %get3A_1387 = vector.shape_cast %get3A_1386 : vector<1x16xf32> to vector<16xf32>
        %mul3A_1388 = arith.mulf %get3A_1387, %gather3A_1359 : vector<16xf32>
        %swap3A_1389 = arith.index_cast %add3A_1363 : i32 to index
        %swap3A_1390 = arith.constant 32 : index
        %swap3A_1391 = tpu.vector_load %arg11[%swap3A_1389, %swap3A_1390] {strides = array<i32>} : memref<128x128xf32, #tpu.memory_space<vmem>>, vector<1x16xf32>,
        %swap3A_1392 = vector.shape_cast %swap3A_1391 : vector<1x16xf32> to vector<16xf32>
        %swap3A_1393 = vector.shape_cast %mul3A_1388 : vector<16xf32> to vector<1x16xf32>
        tpu.vector_store %arg11[%swap3A_1389, %swap3A_1390], %swap3A_1393 {strides = array<i32>} : memref<128x128xf32, #tpu.memory_space<vmem>>, vector<1x16xf32>,
        %get3A_1394 = arith.index_cast %add3A_1363 : i32 to index
        %get3A_1395 = arith.constant 48 : index
        %get3A_1396 = tpu.vector_load %arg11[%get3A_1394, %get3A_1395] {strides = array<i32>} : memref<128x128xf32, #tpu.memory_space<vmem>>, vector<1x16xf32>,
        %get3A_1397 = vector.shape_cast %get3A_1396 : vector<1x16xf32> to vector<16xf32>
        %mul3A_1398 = arith.mulf %get3A_1397, %gather3A_1359 : vector<16xf32>
        %swap3A_1399 = arith.index_cast %add3A_1363 : i32 to index
        %swap3A_1400 = arith.constant 48 : index
        %swap3A_1401 = tpu.vector_load %arg11[%swap3A_1399, %swap3A_1400] {strides = array<i32>} : memref<128x128xf32, #tpu.memory_space<vmem>>, vector<1x16xf32>,
        %swap3A_1402 = vector.shape_cast %swap3A_1401 : vector<1x16xf32> to vector<16xf32>
        %swap3A_1403 = vector.shape_cast %mul3A_1398 : vector<16xf32> to vector<1x16xf32>
        tpu.vector_store %arg11[%swap3A_1399, %swap3A_1400], %swap3A_1403 {strides = array<i32>} : memref<128x128xf32, #tpu.memory_space<vmem>>, vector<1x16xf32>,
        %get3A_1404 = arith.index_cast %add3A_1363 : i32 to index
        %get3A_1405 = arith.constant 64 : index
        %get3A_1406 = tpu.vector_load %arg11[%get3A_1404, %get3A_1405] {strides = array<i32>} : memref<128x128xf32, #tpu.memory_space<vmem>>, vector<1x16xf32>,
        %get3A_1407 = vector.shape_cast %get3A_1406 : vector<1x16xf32> to vector<16xf32>
        %mul3A_1408 = arith.mulf %get3A_1407, %gather3A_1359 : vector<16xf32>
        %swap3A_1409 = arith.index_cast %add3A_1363 : i32 to index
        %swap3A_1410 = arith.constant 64 : index
        %swap3A_1411 = tpu.vector_load %arg11[%swap3A_1409, %swap3A_1410] {strides = array<i32>} : memref<128x128xf32, #tpu.memory_space<vmem>>, vector<1x16xf32>,
        %swap3A_1412 = vector.shape_cast %swap3A_1411 : vector<1x16xf32> to vector<16xf32>
        %swap3A_1413 = vector.shape_cast %mul3A_1408 : vector<16xf32> to vector<1x16xf32>
        tpu.vector_store %arg11[%swap3A_1409, %swap3A_1410], %swap3A_1413 {strides = array<i32>} : memref<128x128xf32, #tpu.memory_space<vmem>>, vector<1x16xf32>,
        %get3A_1414 = arith.index_cast %add3A_1363 : i32 to index
        %get3A_1415 = arith.constant 80 : index
        %get3A_1416 = tpu.vector_load %arg11[%get3A_1414, %get3A_1415] {strides = array<i32>} : memref<128x128xf32, #tpu.memory_space<vmem>>, vector<1x16xf32>,
        %get3A_1417 = vector.shape_cast %get3A_1416 : vector<1x16xf32> to vector<16xf32>
        %mul3A_1418 = arith.mulf %get3A_1417, %gather3A_1359 : vector<16xf32>
        %swap3A_1419 = arith.index_cast %add3A_1363 : i32 to index
        %swap3A_1420 = arith.constant 80 : index
        %swap3A_1421 = tpu.vector_load %arg11[%swap3A_1419, %swap3A_1420] {strides = array<i32>} : memref<128x128xf32, #tpu.memory_space<vmem>>, vector<1x16xf32>,
        %swap3A_1422 = vector.shape_cast %swap3A_1421 : vector<1x16xf32> to vector<16xf32>
        %swap3A_1423 = vector.shape_cast %mul3A_1418 : vector<16xf32> to vector<1x16xf32>
        tpu.vector_store %arg11[%swap3A_1419, %swap3A_1420], %swap3A_1423 {strides = array<i32>} : memref<128x128xf32, #tpu.memory_space<vmem>>, vector<1x16xf32>,
        %get3A_1424 = arith.index_cast %add3A_1363 : i32 to index
        %get3A_1425 = arith.constant 96 : index
        %get3A_1426 = tpu.vector_load %arg11[%get3A_1424, %get3A_1425] {strides = array<i32>} : memref<128x128xf32, #tpu.memory_space<vmem>>, vector<1x16xf32>,
        %get3A_1427 = vector.shape_cast %get3A_1426 : vector<1x16xf32> to vector<16xf32>
        %mul3A_1428 = arith.mulf %get3A_1427, %gather3A_1359 : vector<16xf32>
        %swap3A_1429 = arith.index_cast %add3A_1363 : i32 to index
        %swap3A_1430 = arith.constant 96 : index
        %swap3A_1431 = tpu.vector_load %arg11[%swap3A_1429, %swap3A_1430] {strides = array<i32>} : memref<128x128xf32, #tpu.memory_space<vmem>>, vector<1x16xf32>,
        %swap3A_1432 = vector.shape_cast %swap3A_1431 : vector<1x16xf32> to vector<16xf32>
        %swap3A_1433 = vector.shape_cast %mul3A_1428 : vector<16xf32> to vector<1x16xf32>
        tpu.vector_store %arg11[%swap3A_1429, %swap3A_1430], %swap3A_1433 {strides = array<i32>} : memref<128x128xf32, #tpu.memory_space<vmem>>, vector<1x16xf32>,
        %get3A_1434 = arith.index_cast %add3A_1363 : i32 to index
        %get3A_1435 = arith.constant 112 : index
        %get3A_1436 = tpu.vector_load %arg11[%get3A_1434, %get3A_1435] {strides = array<i32>} : memref<128x128xf32, #tpu.memory_space<vmem>>, vector<1x16xf32>,
        %get3A_1437 = vector.shape_cast %get3A_1436 : vector<1x16xf32> to vector<16xf32>
        %mul3A_1438 = arith.mulf %get3A_1437, %gather3A_1359 : vector<16xf32>
        %swap3A_1439 = arith.index_cast %add3A_1363 : i32 to index
        %swap3A_1440 = arith.constant 112 : index
        %swap3A_1441 = tpu.vector_load %arg11[%swap3A_1439, %swap3A_1440] {strides = array<i32>} : memref<128x128xf32, #tpu.memory_space<vmem>>, vector<1x16xf32>,
        %swap3A_1442 = vector.shape_cast %swap3A_1441 : vector<1x16xf32> to vector<16xf32>
        %swap3A_1443 = vector.shape_cast %mul3A_1438 : vector<16xf32> to vector<1x16xf32>
        tpu.vector_store %arg11[%swap3A_1439, %swap3A_1440], %swap3A_1443 {strides = array<i32>} : memref<128x128xf32, #tpu.memory_space<vmem>>, vector<1x16xf32>,
      }
      %scan3A_32 = arith.constant 8 : i32
      "tpu.region"() ({
        %run_scoped3A = tpu.sem_alloc : memref<!tpu.dma_semaphore, #tpu.memory_space<semaphore_mem>>
        %dma_start3A_33 = arith.constant 0 : i32
        %dma_start3A_34 = tpu.memref_slice %arg9[%scan3A_16, %dma_start3A_33] : memref<80x128xi32, #tpu.memory_space<vmem>> -> memref<1x128xi32, #tpu.memory_space<vmem>>
        %dma_start3A_35 = tpu.memref_squeeze %dma_start3A_34 : memref<1x128xi32, #tpu.memory_space<vmem>> -> memref<128xi32, #tpu.memory_space<vmem>>
        %dma_start3A_36 = arith.constant 0 : i32
        %dma_start3A_37 = arith.constant 0 : i32
        %dma_start3A_38 = tpu.memref_slice %arg12[%dma_start3A_36, %dma_start3A_37] : memref<10000x128xf32, #tpu.memory_space<vmem_shared>> -> memref<10000x128xf32, #tpu.memory_space<vmem_shared>>
        tpu.enqueue_indirect_dma source(%arg11 : memref<128x128xf32, #tpu.memory_space<vmem>>) target(%dma_start3A_38 : memref<10000x128xf32, #tpu.memory_space<vmem_shared>>) offsets(%dma_start3A_35 : memref<128xi32, #tpu.memory_space<vmem>>) semaphore(%run_scoped3A : memref<!tpu.dma_semaphore, #tpu.memory_space<semaphore_mem>>) {add = true}
        %dma_wait3A_39 = arith.constant 0 : i32
        %dma_wait3A_40 = tpu.memref_slice %arg9[%scan3A_16, %dma_wait3A_39] : memref<80x128xi32, #tpu.memory_space<vmem>> -> memref<1x128xi32, #tpu.memory_space<vmem>>
        %dma_wait3A_41 = tpu.memref_squeeze %dma_wait3A_40 : memref<1x128xi32, #tpu.memory_space<vmem>> -> memref<128xi32, #tpu.memory_space<vmem>>
        %dma_wait3A_42 = arith.constant 0 : i32
        %dma_wait3A_43 = arith.constant 0 : i32
        %dma_wait3A_44 = tpu.memref_slice %arg12[%dma_wait3A_42, %dma_wait3A_43] : memref<10000x128xf32, #tpu.memory_space<vmem_shared>> -> memref<10000x128xf32, #tpu.memory_space<vmem_shared>>
        tpu.wait_indirect_dma semaphore(%run_scoped3A : memref<!tpu.dma_semaphore, #tpu.memory_space<semaphore_mem>>) src(%arg11 : memref<128x128xf32, #tpu.memory_space<vmem>>) dst(%dma_wait3A_44 : memref<10000x128xf32, #tpu.memory_space<vmem_shared>>)
        tpu.yield
      }) : () -> ()
    }
    %scan3A_9 = arith.constant 80 : i32
    %barrier3A_10 = arith.constant 0 : index
    tpu.barrier barrier_id(%barrier3A_10)
    %eq3A_11 = arith.constant 0 : i32
    %eq3A_12 = arith.cmpi eq, %arg1, %eq3A_11 : i32
    %convert_element_type3A_13 = arith.extui %eq3A_12 : i1 to i32
    %cond3A_14 = arith.constant 0 : i32
    %cond3A_15 = arith.cmpi ne, %convert_element_type3A_13, %cond3A_14 : i32
    scf.if %cond3A_15 {
      "tpu.region"() ({
        %run_scoped3A = tpu.sem_alloc : memref<!tpu.dma_semaphore, #tpu.memory_space<semaphore_mem>>
        %dma_start3A = arith.constant 0 : i32
        %dma_start3A_16 = arith.constant 0 : i32
        %dma_start3A_17 = tpu.memref_slice %arg7[%arg0, %dma_start3A, %dma_start3A_16] : memref<2x10000x128xf32, #tpu.memory_space<hbm>> -> memref<1x10000x128xf32, #tpu.memory_space<hbm>>
        %dma_start3A_18 = tpu.memref_squeeze %dma_start3A_17 : memref<1x10000x128xf32, #tpu.memory_space<hbm>> -> memref<10000x128xf32, #tpu.memory_space<hbm>>
        tpu.enqueue_dma source(%arg12 : memref<10000x128xf32, #tpu.memory_space<vmem_shared>>) target(%dma_start3A_18 : memref<10000x128xf32, #tpu.memory_space<hbm>>) target_semaphore(%run_scoped3A : memref<!tpu.dma_semaphore, #tpu.memory_space<semaphore_mem>>)
        %dma_wait3A = arith.constant 0 : i32
        %dma_wait3A_19 = arith.constant 0 : i32
        %dma_wait3A_20 = tpu.memref_slice %arg7[%arg0, %dma_wait3A, %dma_wait3A_19] : memref<2x10000x128xf32, #tpu.memory_space<hbm>> -> memref<1x10000x128xf32, #tpu.memory_space<hbm>>
        %dma_wait3A_21 = tpu.memref_squeeze %dma_wait3A_20 : memref<1x10000x128xf32, #tpu.memory_space<hbm>> -> memref<10000x128xf32, #tpu.memory_space<hbm>>
        tpu.wait_dma2 semaphore(%run_scoped3A : memref<!tpu.dma_semaphore, #tpu.memory_space<semaphore_mem>>) src(%arg12 : memref<10000x128xf32, #tpu.memory_space<vmem_shared>>) dst(%dma_wait3A_21 : memref<10000x128xf32, #tpu.memory_space<hbm>>)
        tpu.yield
      }) : () -> ()
    } else {
    }
    return
  }
}

module attributes {stable_mosaic.version = 14 : i64} {
  func.func @_finish_kernel(%arg0: i32, %arg1: memref<1000x128xf32, #tpu.memory_space<vmem>>, %arg2: memref<1000x128xf32, #tpu.memory_space<vmem>>, %arg3: memref<128x128xf32, #tpu.memory_space<vmem>>, %arg4: memref<1x128xf32, #tpu.memory_space<vmem>>, %arg5: memref<1000x128xf32, #tpu.memory_space<vmem>>) attributes {dimension_semantics = [#tpu.dimension_semantics<arbitrary>], iteration_bounds = array<i64: 10>, scalar_prefetch = 0 : i64, scratch_operands = 0 : i64, tpu.core_type = #tpu.core_type<tc>, window_params = [{transform_indices = @transform_0, window_bounds = array<i64: 1000, 128>}, {transform_indices = @transform_1, window_bounds = array<i64: 1000, 128>}, {pipeline_mode = #tpu.pipeline_mode<synchronous>, transform_indices = @transform_2, window_bounds = array<i64: 128, 128>}, {pipeline_mode = #tpu.pipeline_mode<synchronous>, transform_indices = @transform_3, window_bounds = array<i64: 1, 128>}, {transform_indices = @transform_4, window_bounds = array<i64: 1000, 128>}]} {
    %get3A = arith.constant 0 : index
    %get3A_0 = arith.constant 0 : index
    %get3A_1 = vector.load %arg1[%get3A, %get3A_0] : memref<1000x128xf32, #tpu.memory_space<vmem>>, vector<1000x128xf32>
    %get3A_2 = arith.constant 0 : index
    %get3A_3 = arith.constant 0 : index
    %get3A_4 = vector.load %arg2[%get3A_2, %get3A_3] : memref<1000x128xf32, #tpu.memory_space<vmem>>, vector<1000x128xf32>
    %add3A = arith.addf %get3A_1, %get3A_4 : vector<1000x128xf32>
    %get3A_5 = arith.constant 0 : index
    %get3A_6 = arith.constant 0 : index
    %get3A_7 = vector.load %arg3[%get3A_5, %get3A_6] : memref<128x128xf32, #tpu.memory_space<vmem>>, vector<128x128xf32>
    %dot_general3A = arith.constant dense<0.000000e+00> : vector<1000x128xf32>
    %dot_general3A_8 = tpu.matmul %add3A, %get3A_7, %dot_general3A {dimension_numbers = #tpu.dot_dimension_numbers<[1], [0], [0], [1], [0, 0, 1, 1], [], []>, transpose_lhs_hint = false} : vector<1000x128xf32>, vector<128x128xf32>, vector<1000x128xf32> -> vector<1000x128xf32>
    %get3A_9 = arith.constant 0 : index
    %get3A_10 = arith.constant 0 : index
    %get3A_11 = vector.load %arg4[%get3A_9, %get3A_10] : memref<1x128xf32, #tpu.memory_space<vmem>>, vector<1x128xf32>
    %add3A_12 = vector.broadcast %get3A_11 : vector<1x128xf32> to vector<1000x128xf32>
    %add3A_13 = arith.addf %dot_general3A_8, %add3A_12 : vector<1000x128xf32>
    %reduce_max3A = arith.constant dense<0xFF800000> : vector<1000xf32>
    %reduce_max3A_14 = vector.multi_reduction <maximumf>, %add3A_13, %reduce_max3A [1] : vector<1000x128xf32> to vector<1000xf32>
    %broadcast_in_dim3A = vector.shape_cast %reduce_max3A_14 : vector<1000xf32> to vector<1000x1xf32>
    %sub3A = vector.broadcast %broadcast_in_dim3A : vector<1000x1xf32> to vector<1000x128xf32>
    %sub3A_15 = arith.subf %add3A_13, %sub3A : vector<1000x128xf32>
    %exp3A = math.exp %sub3A_15 : vector<1000x128xf32>
    %reduce_sum3A = arith.constant dense<0.000000e+00> : vector<1000xf32>
    %reduce_sum3A_16 = vector.multi_reduction <add>, %exp3A, %reduce_sum3A [1] : vector<1000x128xf32> to vector<1000xf32>
    %broadcast_in_dim3A_17 = vector.shape_cast %reduce_sum3A_16 : vector<1000xf32> to vector<1000x1xf32>
    %log3A = math.log %broadcast_in_dim3A_17 : vector<1000x1xf32>
    %sub3A_18 = vector.broadcast %log3A : vector<1000x1xf32> to vector<1000x128xf32>
    %sub3A_19 = arith.subf %sub3A_15, %sub3A_18 : vector<1000x128xf32>
    %swap3A = arith.constant 0 : index
    %swap3A_20 = arith.constant 0 : index
    %swap3A_21 = vector.load %arg5[%swap3A, %swap3A_20] : memref<1000x128xf32, #tpu.memory_space<vmem>>, vector<1000x128xf32>
    tpu.vector_store %arg5[%swap3A, %swap3A_20], %sub3A_19 {strides = array<i32>} : memref<1000x128xf32, #tpu.memory_space<vmem>>, vector<1000x128xf32>,
    return
  }
  func.func @transform_0(%arg0: i32) -> (i32, i32) {
    %c0_i32 = arith.constant 0 : i32
    %c0_i32_0 = arith.constant 0 : i32
    return %arg0, %c0_i32 : i32, i32
  }
  func.func @transform_1(%arg0: i32) -> (i32, i32) {
    %c0_i32 = arith.constant 0 : i32
    %c0_i32_0 = arith.constant 0 : i32
    return %arg0, %c0_i32 : i32, i32
  }
  func.func @transform_2(%arg0: i32) -> (i32, i32) {
    %c0_i32 = arith.constant 0 : i32
    %c0_i32_0 = arith.constant 0 : i32
    %c0_i32_1 = arith.constant 0 : i32
    return %c0_i32, %c0_i32_0 : i32, i32
  }
  func.func @transform_3(%arg0: i32) -> (i32, i32) {
    %c0_i32 = arith.constant 0 : i32
    %c0_i32_0 = arith.constant 0 : i32
    %c0_i32_1 = arith.constant 0 : i32
    return %c0_i32, %c0_i32_0 : i32, i32
  }
  func.func @transform_4(%arg0: i32) -> (i32, i32) {
    %c0_i32 = arith.constant 0 : i32
    %c0_i32_0 = arith.constant 0 : i32
    return %arg0, %c0_i32 : i32, i32
  }
}

</mosaic_0001>

<sc_bundles>
// kernel: kernel.4.cloned.1.call-start
scs
__scs_entry_jumppad:
0x0: {  	(pc) =	sbr.rel $0x88, $3  }
0x1: {  	(tag) =	ssettag $0x0;
	lr =	simm.s32 $0x1  }
0x2: {  	[smem:$0x3F9C] =	sst lr;
	_ =	strace $0xD0000000  }
0x3: {  	_ = 	snop  }
0x4: {  	_ = 	snop  }
0x5: {  	_ = 	snop  }
0x6: {  	_ = 	snop  }
0x7: {  	_ = 	snop  }
__scs_overlays_trampoline_lowered:
0x8: {  	[smem:$0x3FAB] =	sst s0  }
0x9: {  	[smem:$0x3FAC] =	sst s1  }
0xa: {  	[smem:$0x3FAD] =	sst s2  }
0xb: {  	[smem:$0x3FAE] =	sst s3  }
0xc: {  	[smem:$0x3FAF] =	sst s4  }
0xd: {  	[smem:$0x3FB0] =	sst s5  }
0xe: {  	[smem:$0x3FB1] =	sst s6  }
0xf: {  	[smem:$0x3FB2] =	sst s7  }
0x10: {  	[smem:$0x3FB3] =	sst s8  }
0x11: {  	[smem:$0x3FB4] =	sst s9;
	s0 =	simm.s32 @!p0 $0x0  }
0x12: {  	s1 =	sld [smem:$0x3F9A];
	s0 =	simm.s32 @p0 $0x1  }
0x13: {  	[smem:$0x3FB5] =	sst s0;
	s0 =	simm.s32 @!p1 $0x0  }
0x14: {  	s2 =	sld [smem:$0x3F99];
	s0 =	simm.s32 @p1 $0x1  }
0x15: {  	[smem:$0x3FB6] =	sst s0;
	s0 =	simm.s32 @!p2 $0x0  }
0x16: {  	s3 =	sld [smem:$0x3FDB];
	s0 =	simm.s32 @p2 $0x1  }
0x17: {  	s4 =	simm.s32 $0x1BF5;
	[smem:$0x3FB8] =	sst s0  }
0x18: {  	s0 =	sld [smem:$0x3F9B];
	_ =	swait.ge [sflag:s4], $0x0  }
0x19: {  	s7 =	sld [smem:$0x3F9C]  }
0x1a: {  	s8 =	sadd.s32 $0xFFFFE003, lr  }
0x1b: {  	s9 =	sadd.s32 $0xFFFFFEF7, lr;
	s5 =	simm.s32 $0xFFFFFFFF;
	p2 =	slt.u32 s8, $0xFFFFF086  }
0x1c: {  	p1 =	slt.u32 s9, $0xF7A;
	s5 =	simm.s32 @!p2 $0x0  }
0x1d: {  	s5 =	simm.s32 @p1 $0x1;
	p0 =	seq.s32 s7, s2  }
0x1e: {  	s7 =	smul.u32 @!p0 $0xF7A, s2;
	p2 =	seq.s32 @!p0 s5, $0x0  }
0x1f: {  	s9 =	smul.u32 $0xF7A, s1;
	s8 =	simm.s32 @!p0 $0x1BF5;
	p2 =	por !p2, p0  }
0x20: {  	[sflag:s8] =	ssyncset.s32 @!p0 $0xFFFFF086;
	s6 =	sadd.s32 @!p0 s3, s7;
	s7 =	simm.s32 @!p0 $0x108  }
0x21: {  	s3 =	sadd.s32 s3, s9;
	s6 =	sadd.s32 @!p0 $0x88, s6;
	s7 =	simm.s32 @p2 $0x1082  }
0x22: {  	[simem:s7], [sflag:s8] =	dma.local @!p0 [hbm:s6], $0xF7A  }
0x23: {  	s9 =	sor.u32 $0xD0000000, s2;
	s6 =	simm.s32 $0x108;
	_ =	swait.ge @!p0 [sflag:s8], $0x0  }
0x24: {  	s3 =	sadd.s32 $0x88, s3;
	s6 =	simm.s32 @!p1 $0x1082;
	[sflag:s4] =	ssyncset.s32 $0xFFFFF086  }
0x25: {  	[simem:s6], [sflag:s4] =	dma.local [hbm:s3], $0xF7A  }
0x26: {  	[smem:$0x3F9C] =	sst s1;
	(tag) =	ssettag s2;
	_ =	strace s9  }
0x27: {  	s1 =	sld [smem:$0x3FAC]  }
0x28: {  	s2 =	sld [smem:$0x3FAD]  }
0x29: {  	s4 =	sld [smem:$0x3FAF]  }
0x2a: {  	p0 =	seq.s32 s5, $0x0;
	s5 =	sld [smem:$0x3FB0]  }
0x2b: {  	s6 =	sld [smem:$0x3FB1]  }
0x2c: {  	s7 =	sld [smem:$0x3FB2]  }
0x2d: {  	s3 =	simm.s32 $0x108;
	s8 =	sld [smem:$0x3FB3]  }
0x2e: {  	s3 =	simm.s32 @!p0 $0x1082;
	s9 =	sld [smem:$0x3FB4]  }
0x2f: {  	lr =	sadd.s32 s0, s3;
	s0 =	sld [smem:$0x3FAB]  }
0x30: {  	s3 =	sld [smem:$0x3FAE]  }
0x31: {  	[smem:$0x3FB7] =	sst s10  }
0x32: {  	s10 =	sld [smem:$0x3FB5];
	_ =	sdelay $0x3  }
0x33: {  	p0 =	seq.s32 s10, $0x1;
	s10 =	sld [smem:$0x3FB7];
	_ =	sdelay $0x3  }
0x34: {  	[smem:$0x3FB7] =	sst s10  }
0x35: {  	s10 =	sld [smem:$0x3FB6];
	_ =	sdelay $0x3  }
0x36: {  	p1 =	seq.s32 s10, $0x1;
	s10 =	sld [smem:$0x3FB7];
	_ =	sdelay $0x3  }
0x37: {  	[smem:$0x3FB7] =	sst s10  }
0x38: {  	s10 =	sld [smem:$0x3FB8]  }
0x39: {  	_ = 	snop;
	(pc) =	sbr.ind lr, $3  }
0x3a: {  	_ = 	snop  }
0x3b: {  	_ = 	snop  }
0x3c: {  	p2 =	seq.s32 s10, $0x1;
	s10 =	sld [smem:$0x3FB7]  }
0x3d: {  	_ =	shalt  }
0x3e: {  	_ =	shalt  }
0x3f: {  	_ =	shalt  }
0x40: {  	_ =	shalt  }
0x41: {  	_ =	shalt  }
0x42: {  	_ =	shalt  }
0x43: {  	_ =	shalt  }
0x44: {  	_ =	shalt  }
0x45: {  	_ =	shalt  }
0x46: {  	_ =	shalt  }
0x47: {  	_ =	shalt  }
0x48: {  	_ =	shalt  }
0x49: {  	_ =	shalt  }
0x4a: {  	_ =	shalt  }
0x4b: {  	_ =	shalt  }
0x4c: {  	_ =	shalt  }
0x4d: {  	_ =	shalt  }
0x4e: {  	_ =	shalt  }
0x4f: {  	_ =	shalt  }
0x50: {  	_ =	shalt  }
0x51: {  	_ =	shalt  }
0x52: {  	_ =	shalt  }
0x53: {  	_ =	shalt  }
0x54: {  	_ =	shalt  }
0x55: {  	_ =	shalt  }
0x56: {  	_ =	shalt  }
0x57: {  	_ =	shalt  }
0x58: {  	_ =	shalt  }
0x59: {  	_ =	shalt  }
0x5a: {  	_ =	shalt  }
0x5b: {  	_ =	shalt  }
0x5c: {  	_ =	shalt  }
0x5d: {  	_ =	shalt  }
0x5e: {  	_ =	shalt  }
0x5f: {  	_ =	shalt  }
0x60: {  	_ =	shalt  }
0x61: {  	_ =	shalt  }
0x62: {  	_ =	shalt  }
0x63: {  	_ =	shalt  }
0x64: {  	_ =	shalt  }
0x65: {  	_ =	shalt  }
0x66: {  	_ =	shalt  }
0x67: {  	_ =	shalt  }
0x68: {  	_ =	shalt  }
0x69: {  	_ =	shalt  }
0x6a: {  	_ =	shalt  }
0x6b: {  	_ =	shalt  }
0x6c: {  	_ =	shalt  }
0x6d: {  	_ =	shalt  }
0x6e: {  	_ =	shalt  }
0x6f: {  	_ =	shalt  }
0x70: {  	_ =	shalt  }
0x71: {  	_ =	shalt  }
0x72: {  	_ =	shalt  }
0x73: {  	_ =	shalt  }
0x74: {  	_ =	shalt  }
0x75: {  	_ =	shalt  }
0x76: {  	_ =	shalt  }
0x77: {  	_ =	shalt  }
0x78: {  	_ =	shalt  }
0x79: {  	_ =	shalt  }
0x7a: {  	_ =	shalt  }
0x7b: {  	_ =	shalt  }
0x7c: {  	_ =	shalt  }
0x7d: {  	_ =	shalt  }
0x7e: {  	_ =	shalt  }
0x7f: {  	_ =	shalt  }
0x80: {  	_ =	shalt  }
0x81: {  	_ =	shalt  }
0x82: {  	_ =	shalt  }
0x83: {  	_ =	shalt  }
0x84: {  	_ =	shalt  }
0x85: {  	_ =	shalt  }
0x86: {  	_ =	shalt  }
0x87: {  	_ =	shalt  }
.Lfunc_end0:
.L_simem_size_0:
called_computation_lowered:
.L_overlay_start_0:
0x88: {  	s2 =	sld [smem:$0x3FD9]  }
0x89: {  	s3 =	sld [smem:$0x3FFE];
	_ =	sdelay $0x1  }
0x8a: {  	s1 =	srdreg.scid  }
0x8b: {  	s0 =	sand.u32 $0x1, s1  }
0x8c: {  	s17 =	sshll.u32 s0, $0xA;
	s2 =	sadd.s32 s3, s2  }
0x8d: {  	s2 =	sadd.s32 s2, s17  }
0x8e: {  	[smem:$0x3FC3] =	sst s2  }
0x8f: {  	_ = 	snop  }
0x90: {  	s2 =	sld [smem:$0x3FC8]  }
0x91: {  	s18 =	sld [smem:$0x3FD0];
	(tm) =	ssettm $0x1  }
0x92: {  	s4 =	sld [smem:$0x3FFB];
	_ =	sdelay $0x3  }
0x93: {  	_ =	strace s4  }
0x94: {  	s4 =	sld [smem:$0x3FFC];
	_ =	sdelay $0x3  }
0x95: {  	_ =	strace s4  }
0x96: {  	s4 =	sld [smem:$0x3FFD];
	_ =	sdelay $0x3  }
0x97: {  	_ =	strace s4  }
0x98: {  	_ =	strace $0x8FFFFFFF  }
0x99: {  	s19 =	sld [smem:$0x3FDB];
	_ =	sdelay $0x1  }
0x9a: {  	s5 =	simm.s32 $_scs_section_size  }
0x9b: {  	s6 =	simm.s32 $_size__tile_overlayer_lowered;
	s7 =	simm.s32 $_tile_overlayer_lowered  }
0x9c: {  	s22 =	simm.s32 $0x1BFF;
	s21 =	sshll.u32 s7, $0x1;
	s4 =	sadd.s32 s5, s19  }
0x9d: {  	s8 =	simm.s32 $0x0;
	s20 =	sshll.u32 s6, $0x1;
	s6 =	sadd.s32 s21, s4  }
0x9e: {  	[timem:s8], [sflag:s22] =	dma.local [hbm:s6], s20  }
0x9f: {  	_ =	swait.ge [sflag:s22], s20  }
0xa0: {  	s5 =	ssub.s32 $0x0, s20;
	[sflag:s22] =	ssyncset.done $0x0  }
0xa1: {  	[sflag:s22] =	ssyncadd.s32 s5;
	_ =	sdelay $0x1  }
0xa2: {  	s23 =	simm.s32 $0x1B8B  }
0xa3: {  	_ =	swait.ge [sflag:s23], $0x1  }
0xa4: {  	[sflag:s23] =	ssyncset.done $0x0  }
0xa5: {  	s25 =	simm.s32 $0x1B8E;
	s24 =	sld [smem:$0x3FFE];
	[sflag:s23] =	ssyncadd.s32 $0xFFFFFFFF  }
0xa6: {  	s26 =	simm.s32 $execute0_lowered;
	[smem:$0x3FD2] =	sst s25  }
0xa7: {  	s6 =	sshll.u32 s26, $0x1;
	_ =	strace $0x80000046;
	[dreg:$0x1] =	wrdreg $0xFFFFFFFF  }
0xa8: {  	s28 =	simm.s32 $_size_execute0_lowered;
	s4 =	sadd.s32 s4, s6;
	[dreg:$0x0] =	wrdreg $0x0  }
0xa9: {  	s6 =	sshll.u32 s28, $0x1;
	[dreg:$0x2] =	wrdreg s4  }
0xaa: {  	[dreg:$0x3] =	wrdreg s6  }
0xab: {  	[dreg:$0x4] =	wrdreg $0xC0  }
0xac: {  	_ =	task [dreg:s8], $0x5FFFF  }
0xad: {  	[dreg:$0x1] =	wrdreg $0xFFFFFFFF  }
0xae: {  	[dreg:$0x0] =	wrdreg $0x60  }
0xaf: {  	[dreg:$0x2] =	wrdreg s24  }
0xb0: {  	[dreg:$0x3] =	wrdreg s2  }
0xb1: {  	[dreg:$0x4] =	wrdreg s18  }
0xb2: {  	[dreg:$0x5] =	wrdreg $0xB8000  }
0xb3: {  	[dreg:$0x6] =	wrdreg $0x9  }
0xb4: {  	_ =	task.clear_ibuf [dreg:s8], $0x7FFFF;
	_ =	strace $0x90000046  }
0xb5: {  	s29 =	simm.s32 $0x9;
	_ =	strace $0x80000048  }
0xb6: {  	_ =	swait.ge [sflag:s29], $0x1  }
0xb7: {  	[sflag:s29] =	ssyncadd.s32 $0xFFFFFFFF  }
0xb8: {  	_ =	strace $0x90000048  }
0xb9: {  	_ =	sfence  }
0xba: {  	s30 =	sld [smem:$0x0];
	_ =	sdelay $0x2  }
0xbb: {  	s31 =	sshll.u32 s1, $0xD;
	s1 =	sshrl.u32 s1, $0x2  }
0xbc: {  	s3 =	sand.u32 $0x4000, s31;
	s1 =	sadd.s32 s1, s30  }
0xbd: {  	s0 =	sor.u32 s3, s0;
	s1 =	sshll.u32 s1, $0x11  }
0xbe: {  	s0 =	sor.u32 s1, s0  }
0xbf: {  	s0 =	sadd.s32 $0x8F2B, s0  }
0xc0: {  	[sflag:s0] =	ssyncadd.remote.s32 $0x1  }
0xc1: {  	_ =	sfence.sel $0xFFFF  }
0xc2: {  	[dreg:$0x0] =	wrdreg $0xFFFFFFFF;
	(pc) =	sbr.abs _section_cstart, $3  }
0xc3: {  	[dreg:$0x1] =	wrdreg $0xFFFFFFFF  }
0xc4: {  	_ =	task.clear_ibuf [dreg:s8], $0x2FFFF;
	_ =	strace $0x9FFFFFFF  }
0xc5: {  	(tm) =	ssettm $0x7FFFFFFF  }
tec
execute0_lowered:
.L_overlay_start_1:
0x0: {  	(tag) =	ssettag $0x1  }
0x1: {  	s5 =	rddreg [dreg:$0x0]  }
0x2: {  	s0 =	rddreg [dreg:$0x1]  }
0x3: {  	s1 =	srdreg.scid;
	s2 =	rddreg [dreg:$0x2]  }
0x4: {  	s9 =	stileid.u32;
	s3 =	rddreg [dreg:$0x3];
	s4 =	simm.s32 $0x0  }
0x5: {  	s11 =	simm.s32 $0x2;
	s12 =	simm.s32 $0x2800;
	s13 =	simm.s32 $0x5000  }
0x6: {  	s14 =	simm.s32 $0x80;
	s15 =	simm.s32 $0x7800;
	s16 =	simm.s32 $0x1  }
0x7: {  	s17 =	simm.s32 $0x0;
	s6 =	sand.u32 $0x1, s1;
	[smem:$0x7FF] =	sst s4  }
0x8: {  	v0 =	vimm.s32 $0x0;
	p0 =	sne.s32 s9, $0x0;
	s1 =	sshll.u32 s6, $0x4;
	s8 =	smul.u32 $0x27100, s6  }
0x9: {  	v1 =	vimm.s32 $0x1;
	v2 =	vimm.s32 $0x2;
	v3 =	vimm.s32 $0x3;
	s6 =	ssub.s32 $0x2, s6;
	s7 =	sor.u32 s9, s1;
	s1 =	rddreg [dreg:$0x4]  }
0xa: {  	v4 =	vimm.s32 $0x4;
	v5 =	vimm.s32 $0x5;
	v6 =	vimm.s32 $0x6;
	s31 =	sshrl.u32 s6, $0x1;
	s7 =	smul.u32 $0x500, s7;
	s8 =	sadd.s32 s8, s5  }
0xb: {  	v7 =	vimm.s32 $0x7;
	v8 =	vimm.s32 $0x8;
	v9 =	vimm.s32 $0x9;
	_ =	strace $0x80000047;
	s10 =	ssub.s32 s6, s31;
	s8 =	sadd.s32 $0x1E600, s8  }
0xc: {  	v10 =	vimm.s32 $0xA;
	v11 =	vimm.s32 $0xB;
	v12 =	vimm.s32 $0xC;
	s9 =	smax.u32 s10, $0x1;
	s10 =	sshrl.u32 @!p0 s3, $0x3;
	s7 =	sadd.s32 s7, s5  }
0xd: {  	v13 =	vimm.s32 $0xD;
	v14 =	vimm.s32 $0xE;
	v15 =	vimm.s32 $0xF;
	s5 =	sadd.s32 $0x14600, s7;
	s6 =	sadd.s32 $0xA600, s7;
	s7 =	sadd.s32 $0x600, s7  }
.LBB2_1:
0xe: {  	s18 =	simm.s32 @!p0 $0x1C02  }
0xf: {  	[spmem:s10], [sflag:s18] =	dma.local @!p0 [hbm:s2], $0x27100  }
0x10: {  	s18 =	simm.s32 @!p0 $0x2  }
0x11: {  	_ =	swait.ge @!p0 [sflag:s18], $0x27100  }
0x12: {  	[sflag:s18] =	ssyncset.done @!p0 $0x0  }
0x13: {  	[sflag:s18] =	ssyncadd.s32 @!p0 $0xFFFD8F00  }
0x14: {  	[tilespmem:s4], [sflag:$0x2] =	stream.linear.gather [hbm4b:s5+s4], $0x2800, $0x38;
	[tilespmem:$0x1F080] =	vst v63  }
0x15: {  	_ =	swait.ge [sflag:s11], $0x2800  }
0x16: {  	[sflag:s11] =	ssyncset.done $0x0  }
0x17: {  	[sflag:s11] =	ssyncadd.s32 $0xFFFFD800  }
0x18: {  	[tilespmem:s12], [sflag:$0x2] =	stream.linear.gather [hbm4b:s6+s4], $0x2800, $0x38;
	[tilespmem:$0x1F080] =	vst v63  }
0x19: {  	_ =	swait.ge [sflag:s11], $0x2800  }
0x1a: {  	[sflag:s11] =	ssyncset.done $0x0  }
0x1b: {  	[sflag:s11] =	ssyncadd.s32 $0xFFFFD800  }
0x1c: {  	[tilespmem:s13], [sflag:$0x2] =	stream.linear.gather [hbm4b:s7+s4], $0x2800, $0x38;
	[tilespmem:$0x1F080] =	vst v63  }
0x1d: {  	_ =	swait.ge [sflag:s11], $0x2800  }
0x1e: {  	[sflag:s11] =	ssyncset.done $0x0  }
0x1f: {  	[sflag:s11] =	ssyncadd.s32 $0xFFFFD800  }
0x20: {  	s18 =	simm.s32 $0x0;
	[bflag:$0x0] =	sbarrier.arrive $0xFFFF  }
.LBB2_2:
0x21: {  	s19 =	sshll.u32 s18, $0x7  }
0x22: {  	[tilespmem:s15], [sflag:$0x1] =	stream.indirect.gather [hbm4b:s0+s14], $0x80, s19, s14, $0xb8;
	[tilespmem:$0x1F080] =	vst v63  }
0x23: {  	s21 =	sadd.s32 $0x5000, s19  }
0x24: {  	_ =	swait.ge [sflag:s16], $0x4000;
	v16 =	vmov s21  }
0x25: {  	[sflag:s16] =	ssyncset.done $0x0  }
0x26: {  	s20 =	simm.s32 $0x0;
	[sflag:s16] =	ssyncadd.s32 $0xFFFFC000  }
.LBB2_3:
0x27: {  	s21 =	sshll.u32 s20, $0x4  }
0x28: {  	s21 =	sand.u32 $0x3FFFFFF0, s21  }
0x29: {  	s31 =	sshll.u32 s20, $0xB;
	v17 =	vld.idx.msk [tilespmem:v16+s21+$0x0 ss:$0x1], $0xffff  }
0x2a: {  	s21 =	sand.u32 $0x3FFFF800, s31  }
0x2b: {  	v18 =	vld [tilespmem:s21+$0x7800]  }
0x2c: {  	v19 =	vld [tilespmem:s21+$0x7810]  }
0x2d: {  	v20 =	vld [tilespmem:s21+$0x7820]  }
0x2e: {  	v22 =	vld [tilespmem:s21+$0x7830];
	v21 =	vperm.xlane v17, v0  }
0x2f: {  	v23 =	vld [tilespmem:s21+$0x7840]  }
0x30: {  	v24 =	vld [tilespmem:s21+$0x7850];
	v18 =	vmul.f32 v18, v21  }
0x31: {  	v25 =	vld [tilespmem:s21+$0x7860];
	v19 =	vmul.f32 v19, v21  }
0x32: {  	v38 =	vld [tilespmem:s21+$0x7870];
	[tilespmem:s21+$0x7800] =	vst v18;
	v18 =	vmul.f32 v20, v21  }
0x33: {  	v39 =	vld [tilespmem:s21+$0x7880];
	[tilespmem:s21+$0x7810] =	vst v19;
	v19 =	vmul.f32 v22, v21  }
0x34: {  	v40 =	vld [tilespmem:s21+$0x7890];
	[tilespmem:s21+$0x7820] =	vst v18;
	v18 =	vmul.f32 v23, v21  }
0x35: {  	v41 =	vld [tilespmem:s21+$0x78A0];
	[tilespmem:s21+$0x7830] =	vst v19;
	v19 =	vmul.f32 v24, v21  }
0x36: {  	v26 =	vld [tilespmem:s21+$0x78B0];
	v42 =	vperm.xlane v17, v1;
	[tilespmem:s21+$0x7840] =	vst v18;
	v18 =	vmul.f32 v25, v21  }
0x37: {  	v43 =	vld [tilespmem:s21+$0x78C0];
	[tilespmem:s21+$0x7850] =	vst v19;
	v19 =	vmul.f32 v38, v21  }
0x38: {  	v44 =	vld [tilespmem:s21+$0x78D0];
	[tilespmem:s21+$0x7860] =	vst v18;
	v18 =	vmul.f32 v39, v42  }
0x39: {  	v45 =	vld [tilespmem:s21+$0x78E0];
	[tilespmem:s21+$0x7870] =	vst v19;
	v19 =	vmul.f32 v40, v42  }
0x3a: {  	v46 =	vld [tilespmem:s21+$0x78F0];
	[tilespmem:s21+$0x7880] =	vst v18;
	v18 =	vmul.f32 v41, v42  }
0x3b: {  	v47 =	vld [tilespmem:s21+$0x7900];
	[tilespmem:s21+$0x7890] =	vst v19;
	v19 =	vmul.f32 v26, v42  }
0x3c: {  	v48 =	vld [tilespmem:s21+$0x7910];
	[tilespmem:s21+$0x78A0] =	vst v18;
	v18 =	vmul.f32 v43, v42  }
0x3d: {  	v49 =	vld [tilespmem:s21+$0x7920];
	[tilespmem:s21+$0x78B0] =	vst v19;
	v19 =	vmul.f32 v44, v42  }
0x3e: {  	v51 =	vld [tilespmem:s21+$0x7930];
	v50 =	vperm.xlane v17, v2;
	[tilespmem:s21+$0x78C0] =	vst v18;
	v18 =	vmul.f32 v45, v42  }
0x3f: {  	v52 =	vld [tilespmem:s21+$0x7940];
	[tilespmem:s21+$0x78D0] =	vst v19;
	v19 =	vmul.f32 v46, v42  }
0x40: {  	v53 =	vld [tilespmem:s21+$0x7950];
	[tilespmem:s21+$0x78E0] =	vst v18;
	v18 =	vmul.f32 v47, v50  }
0x41: {  	v54 =	vld [tilespmem:s21+$0x7960];
	[tilespmem:s21+$0x78F0] =	vst v19;
	v19 =	vmul.f32 v48, v50  }
0x42: {  	v55 =	vld [tilespmem:s21+$0x7970];
	[tilespmem:s21+$0x7900] =	vst v18;
	v18 =	vmul.f32 v49, v50  }
0x43: {  	v56 =	vld [tilespmem:s21+$0x7980];
	[tilespmem:s21+$0x7910] =	vst v19;
	v19 =	vmul.f32 v51, v50  }
0x44: {  	v57 =	vld [tilespmem:s21+$0x7990];
	[tilespmem:s21+$0x7920] =	vst v18;
	v18 =	vmul.f32 v52, v50  }
0x45: {  	v58 =	vld [tilespmem:s21+$0x79A0];
	[tilespmem:s21+$0x7930] =	vst v19;
	v19 =	vmul.f32 v53, v50  }
0x46: {  	v60 =	vld [tilespmem:s21+$0x79B0];
	v59 =	vperm.xlane v17, v3;
	[tilespmem:s21+$0x7940] =	vst v18;
	v18 =	vmul.f32 v54, v50  }
0x47: {  	v61 =	vld [tilespmem:s21+$0x79C0];
	[tilespmem:s21+$0x7950] =	vst v19;
	v19 =	vmul.f32 v55, v50  }
0x48: {  	v62 =	vld [tilespmem:s21+$0x79D0];
	[tilespmem:s21+$0x7960] =	vst v18;
	v18 =	vmul.f32 v56, v59  }
0x49: {  	v63 =	vld [tilespmem:s21+$0x79E0];
	[tilespmem:s21+$0x7970] =	vst v19;
	v19 =	vmul.f32 v57, v59  }
0x4a: {  	v28 =	vld [tilespmem:s21+$0x79F0];
	[tilespmem:s21+$0x7980] =	vst v18;
	v18 =	vmul.f32 v58, v59  }
0x4b: {  	v29 =	vld [tilespmem:s21+$0x7A00];
	[tilespmem:s21+$0x7990] =	vst v19;
	v19 =	vmul.f32 v60, v59  }
0x4c: {  	v30 =	vld [tilespmem:s21+$0x7A10];
	[tilespmem:s21+$0x79A0] =	vst v18;
	v18 =	vmul.f32 v61, v59  }
0x4d: {  	v31 =	vld [tilespmem:s21+$0x7A20];
	[tilespmem:s21+$0x79B0] =	vst v19;
	v19 =	vmul.f32 v62, v59  }
0x4e: {  	v33 =	vld [tilespmem:s21+$0x7A30];
	v32 =	vperm.xlane v17, v4;
	[tilespmem:s21+$0x79C0] =	vst v18;
	v18 =	vmul.f32 v63, v59  }
0x4f: {  	v34 =	vld [tilespmem:s21+$0x7A40];
	[tilespmem:s21+$0x79D0] =	vst v19;
	v19 =	vmul.f32 v28, v59  }
0x50: {  	v35 =	vld [tilespmem:s21+$0x7A50];
	[tilespmem:s21+$0x79E0] =	vst v18;
	v18 =	vmul.f32 v29, v32  }
0x51: {  	v36 =	vld [tilespmem:s21+$0x7A60];
	[tilespmem:s21+$0x79F0] =	vst v19;
	v19 =	vmul.f32 v30, v32  }
0x52: {  	v37 =	vld [tilespmem:s21+$0x7A70];
	[tilespmem:s21+$0x7A00] =	vst v18;
	v18 =	vmul.f32 v31, v32  }
0x53: {  	v38 =	vld [tilespmem:s21+$0x7A80];
	[tilespmem:s21+$0x7A10] =	vst v19;
	v19 =	vmul.f32 v33, v32  }
0x54: {  	v39 =	vld [tilespmem:s21+$0x7A90];
	[tilespmem:s21+$0x7A20] =	vst v18;
	v18 =	vmul.f32 v34, v32  }
0x55: {  	v40 =	vld [tilespmem:s21+$0x7AA0];
	[tilespmem:s21+$0x7A30] =	vst v19;
	v19 =	vmul.f32 v35, v32  }
0x56: {  	v41 =	vperm.xlane v17, v5;
	v42 =	vld [tilespmem:s21+$0x7AB0];
	[tilespmem:s21+$0x7A40] =	vst v18;
	v18 =	vmul.f32 v36, v32  }
0x57: {  	v43 =	vld [tilespmem:s21+$0x7AC0];
	[tilespmem:s21+$0x7A50] =	vst v19;
	v19 =	vmul.f32 v37, v32  }
0x58: {  	v44 =	vld [tilespmem:s21+$0x7AD0];
	[tilespmem:s21+$0x7A60] =	vst v18;
	v18 =	vmul.f32 v38, v41  }
0x59: {  	v45 =	vld [tilespmem:s21+$0x7AE0];
	[tilespmem:s21+$0x7A70] =	vst v19;
	v19 =	vmul.f32 v39, v41  }
0x5a: {  	v46 =	vld [tilespmem:s21+$0x7AF0];
	[tilespmem:s21+$0x7A80] =	vst v18;
	v18 =	vmul.f32 v40, v41  }
0x5b: {  	v47 =	vld [tilespmem:s21+$0x7B00];
	[tilespmem:s21+$0x7A90] =	vst v19;
	v19 =	vmul.f32 v42, v41  }
0x5c: {  	v48 =	vld [tilespmem:s21+$0x7B10];
	[tilespmem:s21+$0x7AA0] =	vst v18;
	v18 =	vmul.f32 v43, v41  }
0x5d: {  	v49 =	vld [tilespmem:s21+$0x7B20];
	[tilespmem:s21+$0x7AB0] =	vst v19;
	v19 =	vmul.f32 v44, v41  }
0x5e: {  	v51 =	vld [tilespmem:s21+$0x7B30];
	v50 =	vperm.xlane v17, v6;
	[tilespmem:s21+$0x7AC0] =	vst v18;
	v18 =	vmul.f32 v45, v41  }
0x5f: {  	v52 =	vld [tilespmem:s21+$0x7B40];
	[tilespmem:s21+$0x7AD0] =	vst v19;
	v19 =	vmul.f32 v46, v41  }
0x60: {  	v53 =	vld [tilespmem:s21+$0x7B50];
	[tilespmem:s21+$0x7AE0] =	vst v18;
	v18 =	vmul.f32 v47, v50  }
0x61: {  	v54 =	vld [tilespmem:s21+$0x7B60];
	[tilespmem:s21+$0x7AF0] =	vst v19;
	v19 =	vmul.f32 v48, v50  }
0x62: {  	v55 =	vld [tilespmem:s21+$0x7B70];
	[tilespmem:s21+$0x7B00] =	vst v18;
	v18 =	vmul.f32 v49, v50  }
0x63: {  	v56 =	vld [tilespmem:s21+$0x7B80];
	[tilespmem:s21+$0x7B10] =	vst v19;
	v19 =	vmul.f32 v51, v50  }
0x64: {  	v57 =	vld [tilespmem:s21+$0x7B90];
	[tilespmem:s21+$0x7B20] =	vst v18;
	v18 =	vmul.f32 v52, v50  }
0x65: {  	v58 =	vld [tilespmem:s21+$0x7BA0];
	[tilespmem:s21+$0x7B30] =	vst v19;
	v19 =	vmul.f32 v53, v50  }
0x66: {  	v60 =	vld [tilespmem:s21+$0x7BB0];
	v59 =	vperm.xlane v17, v7;
	[tilespmem:s21+$0x7B40] =	vst v18;
	v18 =	vmul.f32 v54, v50  }
0x67: {  	v61 =	vld [tilespmem:s21+$0x7BC0];
	[tilespmem:s21+$0x7B50] =	vst v19;
	v19 =	vmul.f32 v55, v50  }
0x68: {  	v62 =	vld [tilespmem:s21+$0x7BD0];
	[tilespmem:s21+$0x7B60] =	vst v18;
	v18 =	vmul.f32 v56, v59  }
0x69: {  	v63 =	vld [tilespmem:s21+$0x7BE0];
	[tilespmem:s21+$0x7B70] =	vst v19;
	v19 =	vmul.f32 v57, v59  }
0x6a: {  	v28 =	vld [tilespmem:s21+$0x7BF0];
	[tilespmem:s21+$0x7B80] =	vst v18;
	v18 =	vmul.f32 v58, v59  }
0x6b: {  	v29 =	vld [tilespmem:s21+$0x7C00];
	[tilespmem:s21+$0x7B90] =	vst v19;
	v19 =	vmul.f32 v60, v59  }
0x6c: {  	v30 =	vld [tilespmem:s21+$0x7C10];
	[tilespmem:s21+$0x7BA0] =	vst v18;
	v18 =	vmul.f32 v61, v59  }
0x6d: {  	v31 =	vld [tilespmem:s21+$0x7C20];
	[tilespmem:s21+$0x7BB0] =	vst v19;
	v19 =	vmul.f32 v62, v59  }
0x6e: {  	v33 =	vld [tilespmem:s21+$0x7C30];
	v32 =	vperm.xlane v17, v8;
	[tilespmem:s21+$0x7BC0] =	vst v18;
	v18 =	vmul.f32 v63, v59  }
0x6f: {  	v34 =	vld [tilespmem:s21+$0x7C40];
	[tilespmem:s21+$0x7BD0] =	vst v19;
	v19 =	vmul.f32 v28, v59  }
0x70: {  	v35 =	vld [tilespmem:s21+$0x7C50];
	[tilespmem:s21+$0x7BE0] =	vst v18;
	v18 =	vmul.f32 v29, v32  }
0x71: {  	v36 =	vld [tilespmem:s21+$0x7C60];
	[tilespmem:s21+$0x7BF0] =	vst v19;
	v19 =	vmul.f32 v30, v32  }
0x72: {  	v37 =	vld [tilespmem:s21+$0x7C70];
	[tilespmem:s21+$0x7C00] =	vst v18;
	v18 =	vmul.f32 v31, v32  }
0x73: {  	v38 =	vld [tilespmem:s21+$0x7C80];
	[tilespmem:s21+$0x7C10] =	vst v19;
	v19 =	vmul.f32 v33, v32  }
0x74: {  	v39 =	vld [tilespmem:s21+$0x7C90];
	[tilespmem:s21+$0x7C20] =	vst v18;
	v18 =	vmul.f32 v34, v32  }
0x75: {  	v40 =	vld [tilespmem:s21+$0x7CA0];
	[tilespmem:s21+$0x7C30] =	vst v19;
	v19 =	vmul.f32 v35, v32  }
0x76: {  	v42 =	vld [tilespmem:s21+$0x7CB0];
	v41 =	vperm.xlane v17, v9;
	[tilespmem:s21+$0x7C40] =	vst v18;
	v18 =	vmul.f32 v36, v32  }
0x77: {  	v43 =	vld [tilespmem:s21+$0x7CC0];
	[tilespmem:s21+$0x7C50] =	vst v19;
	v19 =	vmul.f32 v37, v32  }
0x78: {  	v44 =	vld [tilespmem:s21+$0x7CD0];
	[tilespmem:s21+$0x7C60] =	vst v18;
	v18 =	vmul.f32 v38, v41  }
0x79: {  	v45 =	vld [tilespmem:s21+$0x7CE0];
	[tilespmem:s21+$0x7C70] =	vst v19;
	v19 =	vmul.f32 v39, v41  }
0x7a: {  	v46 =	vld [tilespmem:s21+$0x7CF0];
	[tilespmem:s21+$0x7C80] =	vst v18;
	v18 =	vmul.f32 v40, v41  }
0x7b: {  	v47 =	vld [tilespmem:s21+$0x7D00];
	[tilespmem:s21+$0x7C90] =	vst v19;
	v19 =	vmul.f32 v42, v41  }
0x7c: {  	v48 =	vld [tilespmem:s21+$0x7D10];
	[tilespmem:s21+$0x7CA0] =	vst v18;
	v18 =	vmul.f32 v43, v41  }
0x7d: {  	v49 =	vld [tilespmem:s21+$0x7D20];
	[tilespmem:s21+$0x7CB0] =	vst v19;
	v19 =	vmul.f32 v44, v41  }
0x7e: {  	v51 =	vld [tilespmem:s21+$0x7D30];
	v50 =	vperm.xlane v17, v10;
	[tilespmem:s21+$0x7CC0] =	vst v18;
	v18 =	vmul.f32 v45, v41  }
0x7f: {  	v52 =	vld [tilespmem:s21+$0x7D40];
	[tilespmem:s21+$0x7CD0] =	vst v19;
	v19 =	vmul.f32 v46, v41  }
0x80: {  	v53 =	vld [tilespmem:s21+$0x7D50];
	[tilespmem:s21+$0x7CE0] =	vst v18;
	v18 =	vmul.f32 v47, v50  }
0x81: {  	v54 =	vld [tilespmem:s21+$0x7D60];
	[tilespmem:s21+$0x7CF0] =	vst v19;
	v19 =	vmul.f32 v48, v50  }
0x82: {  	v55 =	vld [tilespmem:s21+$0x7D70];
	[tilespmem:s21+$0x7D00] =	vst v18;
	v18 =	vmul.f32 v49, v50  }
0x83: {  	v56 =	vld [tilespmem:s21+$0x7D80];
	[tilespmem:s21+$0x7D10] =	vst v19;
	v19 =	vmul.f32 v51, v50  }
0x84: {  	v57 =	vld [tilespmem:s21+$0x7D90];
	[tilespmem:s21+$0x7D20] =	vst v18;
	v18 =	vmul.f32 v52, v50  }
0x85: {  	v58 =	vld [tilespmem:s21+$0x7DA0];
	[tilespmem:s21+$0x7D30] =	vst v19;
	v19 =	vmul.f32 v53, v50  }
0x86: {  	v60 =	vld [tilespmem:s21+$0x7DB0];
	v59 =	vperm.xlane v17, v11;
	[tilespmem:s21+$0x7D40] =	vst v18;
	v18 =	vmul.f32 v54, v50  }
0x87: {  	v61 =	vld [tilespmem:s21+$0x7DC0];
	[tilespmem:s21+$0x7D50] =	vst v19;
	v19 =	vmul.f32 v55, v50  }
0x88: {  	v62 =	vld [tilespmem:s21+$0x7DD0];
	[tilespmem:s21+$0x7D60] =	vst v18;
	v18 =	vmul.f32 v56, v59  }
0x89: {  	v63 =	vld [tilespmem:s21+$0x7DE0];
	[tilespmem:s21+$0x7D70] =	vst v19;
	v19 =	vmul.f32 v57, v59  }
0x8a: {  	v28 =	vld [tilespmem:s21+$0x7DF0];
	[tilespmem:s21+$0x7D80] =	vst v18;
	v18 =	vmul.f32 v58, v59  }
0x8b: {  	v29 =	vld [tilespmem:s21+$0x7E00];
	[tilespmem:s21+$0x7D90] =	vst v19;
	v19 =	vmul.f32 v60, v59  }
0x8c: {  	v30 =	vld [tilespmem:s21+$0x7E10];
	[tilespmem:s21+$0x7DA0] =	vst v18;
	v18 =	vmul.f32 v61, v59  }
0x8d: {  	v31 =	vld [tilespmem:s21+$0x7E20];
	[tilespmem:s21+$0x7DB0] =	vst v19;
	v19 =	vmul.f32 v62, v59  }
0x8e: {  	v33 =	vld [tilespmem:s21+$0x7E30];
	v32 =	vperm.xlane v17, v12;
	[tilespmem:s21+$0x7DC0] =	vst v18;
	v18 =	vmul.f32 v63, v59  }
0x8f: {  	v34 =	vld [tilespmem:s21+$0x7E40];
	[tilespmem:s21+$0x7DD0] =	vst v19;
	v19 =	vmul.f32 v28, v59  }
0x90: {  	v35 =	vld [tilespmem:s21+$0x7E50];
	[tilespmem:s21+$0x7DE0] =	vst v18;
	v18 =	vmul.f32 v29, v32  }
0x91: {  	v36 =	vld [tilespmem:s21+$0x7E60];
	[tilespmem:s21+$0x7DF0] =	vst v19;
	v19 =	vmul.f32 v30, v32  }
0x92: {  	v37 =	vld [tilespmem:s21+$0x7E70];
	[tilespmem:s21+$0x7E00] =	vst v18;
	v18 =	vmul.f32 v31, v32  }
0x93: {  	v38 =	vld [tilespmem:s21+$0x7E80];
	[tilespmem:s21+$0x7E10] =	vst v19;
	v19 =	vmul.f32 v33, v32  }
0x94: {  	v39 =	vld [tilespmem:s21+$0x7E90];
	[tilespmem:s21+$0x7E20] =	vst v18;
	v18 =	vmul.f32 v34, v32  }
0x95: {  	v40 =	vld [tilespmem:s21+$0x7EA0];
	[tilespmem:s21+$0x7E30] =	vst v19;
	v19 =	vmul.f32 v35, v32  }
0x96: {  	v42 =	vld [tilespmem:s21+$0x7EB0];
	v41 =	vperm.xlane v17, v13;
	[tilespmem:s21+$0x7E40] =	vst v18;
	v18 =	vmul.f32 v36, v32  }
0x97: {  	v43 =	vld [tilespmem:s21+$0x7EC0];
	[tilespmem:s21+$0x7E50] =	vst v19;
	v19 =	vmul.f32 v37, v32  }
0x98: {  	v44 =	vld [tilespmem:s21+$0x7ED0];
	[tilespmem:s21+$0x7E60] =	vst v18;
	v18 =	vmul.f32 v38, v41  }
0x99: {  	v45 =	vld [tilespmem:s21+$0x7EE0];
	[tilespmem:s21+$0x7E70] =	vst v19;
	v19 =	vmul.f32 v39, v41  }
0x9a: {  	v46 =	vld [tilespmem:s21+$0x7EF0];
	[tilespmem:s21+$0x7E80] =	vst v18;
	v18 =	vmul.f32 v40, v41  }
0x9b: {  	v47 =	vld [tilespmem:s21+$0x7F00];
	[tilespmem:s21+$0x7E90] =	vst v19;
	v19 =	vmul.f32 v42, v41  }
0x9c: {  	v48 =	vld [tilespmem:s21+$0x7F10];
	[tilespmem:s21+$0x7EA0] =	vst v18;
	v18 =	vmul.f32 v43, v41  }
0x9d: {  	v49 =	vld [tilespmem:s21+$0x7F20];
	[tilespmem:s21+$0x7EB0] =	vst v19;
	v19 =	vmul.f32 v44, v41  }
0x9e: {  	v51 =	vld [tilespmem:s21+$0x7F30];
	v50 =	vperm.xlane v17, v14;
	[tilespmem:s21+$0x7EC0] =	vst v18;
	v18 =	vmul.f32 v45, v41  }
0x9f: {  	v52 =	vld [tilespmem:s21+$0x7F40];
	[tilespmem:s21+$0x7ED0] =	vst v19;
	v19 =	vmul.f32 v46, v41  }
0xa0: {  	v53 =	vld [tilespmem:s21+$0x7F50];
	[tilespmem:s21+$0x7EE0] =	vst v18;
	v18 =	vmul.f32 v47, v50  }
0xa1: {  	v54 =	vld [tilespmem:s21+$0x7F60];
	[tilespmem:s21+$0x7EF0] =	vst v19;
	v19 =	vmul.f32 v48, v50  }
0xa2: {  	v55 =	vld [tilespmem:s21+$0x7F70];
	[tilespmem:s21+$0x7F00] =	vst v18;
	v18 =	vmul.f32 v49, v50  }
0xa3: {  	v56 =	vld [tilespmem:s21+$0x7F80];
	[tilespmem:s21+$0x7F10] =	vst v19;
	v19 =	vmul.f32 v51, v50  }
0xa4: {  	v57 =	vld [tilespmem:s21+$0x7F90];
	[tilespmem:s21+$0x7F20] =	vst v18;
	v18 =	vmul.f32 v52, v50  }
0xa5: {  	v58 =	vld [tilespmem:s21+$0x7FA0];
	[tilespmem:s21+$0x7F30] =	vst v19;
	v19 =	vmul.f32 v53, v50  }
0xa6: {  	v17 =	vperm.xlane v17, v15;
	v59 =	vld [tilespmem:s21+$0x7FB0];
	[tilespmem:s21+$0x7F40] =	vst v18;
	v18 =	vmul.f32 v54, v50  }
0xa7: {  	v60 =	vld [tilespmem:s21+$0x7FC0];
	[tilespmem:s21+$0x7F50] =	vst v19;
	v19 =	vmul.f32 v55, v50  }
0xa8: {  	v61 =	vld [tilespmem:s21+$0x7FD0];
	[tilespmem:s21+$0x7F60] =	vst v18;
	v18 =	vmul.f32 v56, v17  }
0xa9: {  	v62 =	vld [tilespmem:s21+$0x7FE0];
	[tilespmem:s21+$0x7F70] =	vst v19;
	v19 =	vmul.f32 v57, v17  }
0xaa: {  	v63 =	vld [tilespmem:s21+$0x7FF0];
	[tilespmem:s21+$0x7F80] =	vst v18;
	v18 =	vmul.f32 v58, v17  }
0xab: {  	[tilespmem:s21+$0x7F90] =	vst v19;
	v19 =	vmul.f32 v59, v17  }
0xac: {  	p1 =	sne.s32 s20, $0x7;
	[tilespmem:s21+$0x7FA0] =	vst v18;
	v18 =	vmul.f32 v60, v17  }
.Ltmp0:
0xad: {  	[tilespmem:s21+$0x7FB0] =	vst v19;
	v19 =	vmul.f32 v61, v17;
	(pc) =	sbr.rel @p1 .LBB2_3-.Ltmp0, $4  }
0xae: {  	[tilespmem:s21+$0x7FC0] =	vst v18;
	v18 =	vmul.f32 v62, v17  }
0xaf: {  	[tilespmem:s21+$0x7FD0] =	vst v19;
	v17 =	vmul.f32 v63, v17  }
0xb0: {  	[tilespmem:s21+$0x7FE0] =	vst v18  }
0xb1: {  	s20 =	sadd.s32 $0x1, s20;
	[tilespmem:s21+$0x7FF0] =	vst v17  }
0xb2: {  	s18 =	sadd.s32 $0x1, s18  }
0xb3: {  	p1 =	sne.s32 s18, $0x50  }
.Ltmp1:
0xb4: {  	s19 =	sadd.s32 $0x2800, s19;
	(pc) =	sbr.rel @p1 .LBB2_2-.Ltmp1, $4  }
0xb5: {  	[spmem:s3] =	stream.indirect.scatter.add.f32 [tilespmem:s15], [sflag:$0x2], $0x80, s19, s14, $0xb8;
	[tilespmem:$0x1F080] =	vst v63  }
0xb6: {  	_ =	swait.ge [sflag:s11], $0x4000  }
0xb7: {  	[sflag:s11] =	ssyncset.done $0x0  }
0xb8: {  	[sflag:s11] =	ssyncadd.s32 $0xFFFFC000  }
0xb9: {  	[bflag:$0x0] =	sbarrier.arrive $0xFFFF;
	s18 =	simm.s32 @!p0 $0x1C02;
	s17 =	sadd.s32 $0x1, s17  }
0xba: {  	[hbm:s8], [sflag:s18] =	dma.local @!p0 [spmem:s10], $0x27100  }
0xbb: {  	p1 =	sne.s32 s17, s9  }
.Ltmp2:
0xbc: {  	_ = 	snop;
	(pc) =	sbr.rel @p1 .LBB2_1-.Ltmp2, $4  }
0xbd: {  	s18 =	simm.s32 @!p0 $0x2  }
0xbe: {  	_ =	swait.ge @!p0 [sflag:s18], $0x27100  }
0xbf: {  	[sflag:s18] =	ssyncset.done @!p0 $0x0  }
0xc0: {  	[sflag:s18] =	ssyncadd.s32 @!p0 $0xFFFD8F00  }
0xc1: {  	_ =	sfence.sel $0x180000  }
0xc2: {  	[bflag:$0x0] =	sbarrier.arrive $0xFFFF  }
0xc3: {  	_ =	strace $0x90000047  }
0xc4: {  	s0 =	sadd.s32 @!p0 $0x100000, s1;
	[bflag:$0x2] =	sbarrier.arrive $0xFFFF  }
0xc5: {  	[sflag:s0] =	ssyncadd.tile.s32 @!p0 $0x1;
	_ =	shalt  }
.Lfunc_end2:
_tile_overlayer_lowered:
.L_overlay_start_2:
0xc6: {  	(tag) =	ssettag $0x2  }
0xc7: {  	s0 =	rddreg [dreg:$0x0];
	s2 =	stileid.u32  }
0xc8: {  	s1 =	rddreg [dreg:$0x1];
	p0 =	sne.s32 s2, $0x0  }
0xc9: {  	s3 =	rddreg [dreg:$0x2];
	[bflag:$0x3] =	sbarrier.arrive $0xFFFF;
	s2 =	simm.s32 @!p0 $0x1C02  }
0xca: {  	[timem:s3], [sflag:s2] =	dma.local @!p0 [hbm:s0], s1  }
0xcb: {  	s0 =	simm.s32 @!p0 $0x2  }
0xcc: {  	_ =	swait.ge @!p0 [sflag:s0], s1  }
0xcd: {  	s1 =	ssub.s32 @!p0 $0x0, s1;
	[sflag:s0] =	ssyncset.done @!p0 $0x0  }
0xce: {  	[sflag:s0] =	ssyncadd.s32 @!p0 s1  }
0xcf: {  	[bflag:$0x3] =	sbarrier.arrive $0xFFFF  }
0xd0: {  	_ =	shalt  }

</sc_bundles>
